<compile_context>
chip_gen: v7x
topology: tpu7x:2x2x1
jax: 0.10.2.dev20260603
libtpu: 0.0.44.dev20260713+nightly
codegen_flags: <defaults>
</compile_context>

<pallas_src>
import functools

import jax
import jax.numpy as jnp
from jax import lax
from jax.experimental import pallas as pl
from jax.experimental.pallas import tpu as pltpu
from jax.experimental.pallas import tpu_sc as plsc

VOCAB = 1000000
EMBED_DIM = 32
BATCH = 16384
HIST = 50
NUM_IDS = BATCH * HIST

NC, NS = 2, 16
NW = NC * NS
IDS_PER_W = NUM_IDS // NW
SUB = 128
KCH = 10
CH = KCH * SUB
NCH = IDS_PER_W // CH
NPAIR = NCH // 2

_mesh = plsc.VectorSubcoreMesh(core_axis_name="c", subcore_axis_name="s")


@functools.partial(
    pl.kernel,
    mesh=_mesh,
    out_type=jax.ShapeDtypeStruct((NUM_IDS, EMBED_DIM), jnp.float32),
    scratch_types=[
        pltpu.VMEM((IDS_PER_W,), jnp.int32),
        pltpu.VMEM((CH, EMBED_DIM), jnp.float32),
        pltpu.VMEM((CH, EMBED_DIM), jnp.float32),
        pltpu.SemaphoreType.DMA,
        pltpu.SemaphoreType.DMA,
        pltpu.SemaphoreType.DMA,
        pltpu.SemaphoreType.DMA,
    ],
    compiler_params=pltpu.CompilerParams(use_tc_tiling_on_sc=False),
)
def _gather_sc(idx_hbm, table_hbm, out_hbm, idx_v, rows0_v, rows1_v,
               sg0, sg1, sw0, sw1):
    wid = lax.axis_index("s") * NC + lax.axis_index("c")
    base = wid * IDS_PER_W

    pltpu.sync_copy(idx_hbm.at[pl.ds(base, IDS_PER_W)], idx_v)

    def fire(rows_v, sem, cbase):
        for j in range(KCH):
            pltpu.async_copy(
                table_hbm.at[idx_v.at[pl.ds(cbase + j * SUB, SUB)]],
                rows_v.at[pl.ds(j * SUB, SUB)],
                sem,
            )

    def drain_gather(rows_v, sem):
        pltpu.make_async_copy(table_hbm.at[pl.ds(0, CH)], rows_v, sem).wait()

    def drain_wb(rows_v, sem):
        pltpu.make_async_copy(rows_v, out_hbm.at[pl.ds(base, CH)], sem).wait()

    fire(rows0_v, sg0, 0)
    fire(rows1_v, sg1, CH)

    def pair(i, carry):
        c0 = (2 * i) * CH
        c1 = c0 + CH
        drain_gather(rows0_v, sg0)
        pltpu.async_copy(rows0_v, out_hbm.at[pl.ds(base + c0, CH)], sw0)
        drain_gather(rows1_v, sg1)
        pltpu.async_copy(rows1_v, out_hbm.at[pl.ds(base + c1, CH)], sw1)
        drain_wb(rows0_v, sw0)
        fire(rows0_v, sg0, c1 + CH)
        drain_wb(rows1_v, sw1)
        fire(rows1_v, sg1, c1 + 2 * CH)
        return carry

    lax.fori_loop(0, NPAIR - 1, pair, 0)

    c0 = (NCH - 2) * CH
    drain_gather(rows0_v, sg0)
    pltpu.async_copy(rows0_v, out_hbm.at[pl.ds(base + c0, CH)], sw0)
    drain_gather(rows1_v, sg1)
    pltpu.async_copy(rows1_v, out_hbm.at[pl.ds(base + c0 + CH, CH)], sw1)
    drain_wb(rows0_v, sw0)
    drain_wb(rows1_v, sw1)


def kernel(input_ids, weight):
    idx = jnp.asarray(input_ids, jnp.int32).reshape(NUM_IDS)
    out = _gather_sc(idx, weight)
    return out.reshape(BATCH, HIST, EMBED_DIM)

# --- scband reference (transcript-rebuilt; emitter-appended) ---
"""Pipeline reference for scband-expandable-embedding-87522843558028 (READ-ONLY COPY).

The authoritative reference and input builder live on the scoring server;
editing this copy changes nothing except your own understanding.
"""

import jax, jax.numpy as jnp
import numpy as np

VOCAB = 1000000
EMBED_DIM = 32
BATCH = 16384
HIST = 50

def setup_inputs(seed: int = 0) -> dict:
    key = jax.random.key(seed)
    k_idx, k_w = jax.random.split(key)
    input_ids = jax.random.randint(k_idx, (BATCH, HIST), 0, VOCAB, dtype=jnp.int64 if jax.config.jax_enable_x64 else jnp.int32)
    # nn.Embedding default init: N(0, 1)
    weight = jax.random.normal(k_w, (VOCAB, EMBED_DIM), dtype=jnp.float32)
    return {"input_ids": input_ids, "weight": weight}

def reference(input_ids, weight):
    # Faithful to nn.Embedding forward: gather rows of the table
    return jnp.take(weight, input_ids, axis=0)

if __name__ == "__main__":
    import jax
    _d = setup_inputs()
    print(jax.jit(kernel)(*tuple(_d.values())))

</pallas_src>

<mosaic_0001>
#map = affine_map<(d0, d1) -> (0)>
#map1 = affine_map<(d0, d1) -> (0, 0)>
module attributes {stable_mosaic.version = 14 : i64} {
  func.func @_gather_sc(%arg0: i32, %arg1: i32, %arg2: memref<819200xi32, #tpu.memory_space<hbm>>, %arg3: memref<1000000x32xf32, #tpu.memory_space<hbm>>, %arg4: memref<819200x32xf32, #tpu.memory_space<hbm>>, %arg5: memref<25600xi32, #tpu.memory_space<vmem>>, %arg6: memref<1280x32xf32, #tpu.memory_space<vmem>>, %arg7: memref<1280x32xf32, #tpu.memory_space<vmem>>, %arg8: memref<!tpu.dma_semaphore, #tpu.memory_space<semaphore_mem>>, %arg9: memref<!tpu.dma_semaphore, #tpu.memory_space<semaphore_mem>>, %arg10: memref<!tpu.dma_semaphore, #tpu.memory_space<semaphore_mem>>, %arg11: memref<!tpu.dma_semaphore, #tpu.memory_space<semaphore_mem>>) attributes {dimension_semantics = [#tpu.dimension_semantics<core_parallel>, #tpu.dimension_semantics<subcore_parallel>], iteration_bounds = array<i64: 2, 16>, scalar_prefetch = 0 : i64, scratch_operands = 7 : i64, tpu.core_type = #tpu.core_type<sc_vector_subcore>, window_params = [{transform_indices = #map}, {transform_indices = #map1}, {transform_indices = #map1}]} {
    %mul3A = arith.constant 2 : i32
    %mul3A_0 = arith.muli %arg1, %mul3A : i32
    %add3A = arith.addi %mul3A_0, %arg0 : i32
    %mul3A_1 = arith.constant 25600 : i32
    %mul3A_2 = arith.muli %add3A, %mul3A_1 : i32
    "tpu.region"() ({
      %run_scoped3A = tpu.sem_alloc : memref<!tpu.dma_semaphore, #tpu.memory_space<semaphore_mem>>
      %dma_start3A_200 = tpu.memref_slice %arg2[%mul3A_2] : memref<819200xi32, #tpu.memory_space<hbm>> -> memref<25600xi32, #tpu.memory_space<hbm>>
      %dma_start3A_201 = tpu.memref_slice %arg2[%mul3A_2] : memref<819200xi32, #tpu.memory_space<hbm>> -> memref<25600xi32, #tpu.memory_space<hbm>>
      tpu.enqueue_dma source(%dma_start3A_201 : memref<25600xi32, #tpu.memory_space<hbm>>) target(%arg5 : memref<25600xi32, #tpu.memory_space<vmem>>) target_semaphore(%run_scoped3A : memref<!tpu.dma_semaphore, #tpu.memory_space<semaphore_mem>>)
      %dma_wait3A_202 = tpu.memref_slice %arg2[%mul3A_2] : memref<819200xi32, #tpu.memory_space<hbm>> -> memref<25600xi32, #tpu.memory_space<hbm>>
      %dma_wait3A_203 = tpu.memref_slice %arg2[%mul3A_2] : memref<819200xi32, #tpu.memory_space<hbm>> -> memref<25600xi32, #tpu.memory_space<hbm>>
      tpu.wait_dma2 semaphore(%run_scoped3A : memref<!tpu.dma_semaphore, #tpu.memory_space<semaphore_mem>>) src(%dma_wait3A_203 : memref<25600xi32, #tpu.memory_space<hbm>>) dst(%arg5 : memref<25600xi32, #tpu.memory_space<vmem>>)
      tpu.yield
    }) : () -> ()
    %dma_start3A = arith.constant 0 : i32
    %dma_start3A_3 = arith.constant 0 : i32
    %dma_start3A_4 = tpu.memref_slice %arg6[%dma_start3A, %dma_start3A_3] : memref<1280x32xf32, #tpu.memory_space<vmem>> -> memref<128x32xf32, #tpu.memory_space<vmem>>
    %dma_start3A_5 = arith.constant 0 : i32
    %dma_start3A_6 = tpu.memref_slice %arg5[%dma_start3A_5] : memref<25600xi32, #tpu.memory_space<vmem>> -> memref<128xi32, #tpu.memory_space<vmem>>
    %dma_start3A_7 = arith.constant 0 : i32
    %dma_start3A_8 = arith.constant 0 : i32
    %dma_start3A_9 = tpu.memref_slice %arg3[%dma_start3A_7, %dma_start3A_8] : memref<1000000x32xf32, #tpu.memory_space<hbm>> -> memref<1000000x32xf32, #tpu.memory_space<hbm>>
    tpu.enqueue_indirect_dma source(%dma_start3A_9 : memref<1000000x32xf32, #tpu.memory_space<hbm>>) target(%dma_start3A_4 : memref<128x32xf32, #tpu.memory_space<vmem>>) offsets(%dma_start3A_6 : memref<128xi32, #tpu.memory_space<vmem>>) semaphore(%arg8 : memref<!tpu.dma_semaphore, #tpu.memory_space<semaphore_mem>>)
    %dma_start3A_10 = arith.constant 128 : i32
    %dma_start3A_11 = arith.constant 0 : i32
    %dma_start3A_12 = tpu.memref_slice %arg6[%dma_start3A_10, %dma_start3A_11] : memref<1280x32xf32, #tpu.memory_space<vmem>> -> memref<128x32xf32, #tpu.memory_space<vmem>>
    %dma_start3A_13 = arith.constant 128 : i32
    %dma_start3A_14 = tpu.memref_slice %arg5[%dma_start3A_13] : memref<25600xi32, #tpu.memory_space<vmem>> -> memref<128xi32, #tpu.memory_space<vmem>>
    %dma_start3A_15 = arith.constant 0 : i32
    %dma_start3A_16 = arith.constant 0 : i32
    %dma_start3A_17 = tpu.memref_slice %arg3[%dma_start3A_15, %dma_start3A_16] : memref<1000000x32xf32, #tpu.memory_space<hbm>> -> memref<1000000x32xf32, #tpu.memory_space<hbm>>
    tpu.enqueue_indirect_dma source(%dma_start3A_17 : memref<1000000x32xf32, #tpu.memory_space<hbm>>) target(%dma_start3A_12 : memref<128x32xf32, #tpu.memory_space<vmem>>) offsets(%dma_start3A_14 : memref<128xi32, #tpu.memory_space<vmem>>) semaphore(%arg8 : memref<!tpu.dma_semaphore, #tpu.memory_space<semaphore_mem>>)
    %dma_start3A_18 = arith.constant 256 : i32
    %dma_start3A_19 = arith.constant 0 : i32
    %dma_start3A_20 = tpu.memref_slice %arg6[%dma_start3A_18, %dma_start3A_19] : memref<1280x32xf32, #tpu.memory_space<vmem>> -> memref<128x32xf32, #tpu.memory_space<vmem>>
    %dma_start3A_21 = arith.constant 256 : i32
    %dma_start3A_22 = tpu.memref_slice %arg5[%dma_start3A_21] : memref<25600xi32, #tpu.memory_space<vmem>> -> memref<128xi32, #tpu.memory_space<vmem>>
    %dma_start3A_23 = arith.constant 0 : i32
    %dma_start3A_24 = arith.constant 0 : i32
    %dma_start3A_25 = tpu.memref_slice %arg3[%dma_start3A_23, %dma_start3A_24] : memref<1000000x32xf32, #tpu.memory_space<hbm>> -> memref<1000000x32xf32, #tpu.memory_space<hbm>>
    tpu.enqueue_indirect_dma source(%dma_start3A_25 : memref<1000000x32xf32, #tpu.memory_space<hbm>>) target(%dma_start3A_20 : memref<128x32xf32, #tpu.memory_space<vmem>>) offsets(%dma_start3A_22 : memref<128xi32, #tpu.memory_space<vmem>>) semaphore(%arg8 : memref<!tpu.dma_semaphore, #tpu.memory_space<semaphore_mem>>)
    %dma_start3A_26 = arith.constant 384 : i32
    %dma_start3A_27 = arith.constant 0 : i32
    %dma_start3A_28 = tpu.memref_slice %arg6[%dma_start3A_26, %dma_start3A_27] : memref<1280x32xf32, #tpu.memory_space<vmem>> -> memref<128x32xf32, #tpu.memory_space<vmem>>
    %dma_start3A_29 = arith.constant 384 : i32
    %dma_start3A_30 = tpu.memref_slice %arg5[%dma_start3A_29] : memref<25600xi32, #tpu.memory_space<vmem>> -> memref<128xi32, #tpu.memory_space<vmem>>
    %dma_start3A_31 = arith.constant 0 : i32
    %dma_start3A_32 = arith.constant 0 : i32
    %dma_start3A_33 = tpu.memref_slice %arg3[%dma_start3A_31, %dma_start3A_32] : memref<1000000x32xf32, #tpu.memory_space<hbm>> -> memref<1000000x32xf32, #tpu.memory_space<hbm>>
    tpu.enqueue_indirect_dma source(%dma_start3A_33 : memref<1000000x32xf32, #tpu.memory_space<hbm>>) target(%dma_start3A_28 : memref<128x32xf32, #tpu.memory_space<vmem>>) offsets(%dma_start3A_30 : memref<128xi32, #tpu.memory_space<vmem>>) semaphore(%arg8 : memref<!tpu.dma_semaphore, #tpu.memory_space<semaphore_mem>>)
    %dma_start3A_34 = arith.constant 512 : i32
    %dma_start3A_35 = arith.constant 0 : i32
    %dma_start3A_36 = tpu.memref_slice %arg6[%dma_start3A_34, %dma_start3A_35] : memref<1280x32xf32, #tpu.memory_space<vmem>> -> memref<128x32xf32, #tpu.memory_space<vmem>>
    %dma_start3A_37 = arith.constant 512 : i32
    %dma_start3A_38 = tpu.memref_slice %arg5[%dma_start3A_37] : memref<25600xi32, #tpu.memory_space<vmem>> -> memref<128xi32, #tpu.memory_space<vmem>>
    %dma_start3A_39 = arith.constant 0 : i32
    %dma_start3A_40 = arith.constant 0 : i32
    %dma_start3A_41 = tpu.memref_slice %arg3[%dma_start3A_39, %dma_start3A_40] : memref<1000000x32xf32, #tpu.memory_space<hbm>> -> memref<1000000x32xf32, #tpu.memory_space<hbm>>
    tpu.enqueue_indirect_dma source(%dma_start3A_41 : memref<1000000x32xf32, #tpu.memory_space<hbm>>) target(%dma_start3A_36 : memref<128x32xf32, #tpu.memory_space<vmem>>) offsets(%dma_start3A_38 : memref<128xi32, #tpu.memory_space<vmem>>) semaphore(%arg8 : memref<!tpu.dma_semaphore, #tpu.memory_space<semaphore_mem>>)
    %dma_start3A_42 = arith.constant 640 : i32
    %dma_start3A_43 = arith.constant 0 : i32
    %dma_start3A_44 = tpu.memref_slice %arg6[%dma_start3A_42, %dma_start3A_43] : memref<1280x32xf32, #tpu.memory_space<vmem>> -> memref<128x32xf32, #tpu.memory_space<vmem>>
    %dma_start3A_45 = arith.constant 640 : i32
    %dma_start3A_46 = tpu.memref_slice %arg5[%dma_start3A_45] : memref<25600xi32, #tpu.memory_space<vmem>> -> memref<128xi32, #tpu.memory_space<vmem>>
    %dma_start3A_47 = arith.constant 0 : i32
    %dma_start3A_48 = arith.constant 0 : i32
    %dma_start3A_49 = tpu.memref_slice %arg3[%dma_start3A_47, %dma_start3A_48] : memref<1000000x32xf32, #tpu.memory_space<hbm>> -> memref<1000000x32xf32, #tpu.memory_space<hbm>>
    tpu.enqueue_indirect_dma source(%dma_start3A_49 : memref<1000000x32xf32, #tpu.memory_space<hbm>>) target(%dma_start3A_44 : memref<128x32xf32, #tpu.memory_space<vmem>>) offsets(%dma_start3A_46 : memref<128xi32, #tpu.memory_space<vmem>>) semaphore(%arg8 : memref<!tpu.dma_semaphore, #tpu.memory_space<semaphore_mem>>)
    %dma_start3A_50 = arith.constant 768 : i32
    %dma_start3A_51 = arith.constant 0 : i32
    %dma_start3A_52 = tpu.memref_slice %arg6[%dma_start3A_50, %dma_start3A_51] : memref<1280x32xf32, #tpu.memory_space<vmem>> -> memref<128x32xf32, #tpu.memory_space<vmem>>
    %dma_start3A_53 = arith.constant 768 : i32
    %dma_start3A_54 = tpu.memref_slice %arg5[%dma_start3A_53] : memref<25600xi32, #tpu.memory_space<vmem>> -> memref<128xi32, #tpu.memory_space<vmem>>
    %dma_start3A_55 = arith.constant 0 : i32
    %dma_start3A_56 = arith.constant 0 : i32
    %dma_start3A_57 = tpu.memref_slice %arg3[%dma_start3A_55, %dma_start3A_56] : memref<1000000x32xf32, #tpu.memory_space<hbm>> -> memref<1000000x32xf32, #tpu.memory_space<hbm>>
    tpu.enqueue_indirect_dma source(%dma_start3A_57 : memref<1000000x32xf32, #tpu.memory_space<hbm>>) target(%dma_start3A_52 : memref<128x32xf32, #tpu.memory_space<vmem>>) offsets(%dma_start3A_54 : memref<128xi32, #tpu.memory_space<vmem>>) semaphore(%arg8 : memref<!tpu.dma_semaphore, #tpu.memory_space<semaphore_mem>>)
    %dma_start3A_58 = arith.constant 896 : i32
    %dma_start3A_59 = arith.constant 0 : i32
    %dma_start3A_60 = tpu.memref_slice %arg6[%dma_start3A_58, %dma_start3A_59] : memref<1280x32xf32, #tpu.memory_space<vmem>> -> memref<128x32xf32, #tpu.memory_space<vmem>>
    %dma_start3A_61 = arith.constant 896 : i32
    %dma_start3A_62 = tpu.memref_slice %arg5[%dma_start3A_61] : memref<25600xi32, #tpu.memory_space<vmem>> -> memref<128xi32, #tpu.memory_space<vmem>>
    %dma_start3A_63 = arith.constant 0 : i32
    %dma_start3A_64 = arith.constant 0 : i32
    %dma_start3A_65 = tpu.memref_slice %arg3[%dma_start3A_63, %dma_start3A_64] : memref<1000000x32xf32, #tpu.memory_space<hbm>> -> memref<1000000x32xf32, #tpu.memory_space<hbm>>
    tpu.enqueue_indirect_dma source(%dma_start3A_65 : memref<1000000x32xf32, #tpu.memory_space<hbm>>) target(%dma_start3A_60 : memref<128x32xf32, #tpu.memory_space<vmem>>) offsets(%dma_start3A_62 : memref<128xi32, #tpu.memory_space<vmem>>) semaphore(%arg8 : memref<!tpu.dma_semaphore, #tpu.memory_space<semaphore_mem>>)
    %dma_start3A_66 = arith.constant 1024 : i32
    %dma_start3A_67 = arith.constant 0 : i32
    %dma_start3A_68 = tpu.memref_slice %arg6[%dma_start3A_66, %dma_start3A_67] : memref<1280x32xf32, #tpu.memory_space<vmem>> -> memref<128x32xf32, #tpu.memory_space<vmem>>
    %dma_start3A_69 = arith.constant 1024 : i32
    %dma_start3A_70 = tpu.memref_slice %arg5[%dma_start3A_69] : memref<25600xi32, #tpu.memory_space<vmem>> -> memref<128xi32, #tpu.memory_space<vmem>>
    %dma_start3A_71 = arith.constant 0 : i32
    %dma_start3A_72 = arith.constant 0 : i32
    %dma_start3A_73 = tpu.memref_slice %arg3[%dma_start3A_71, %dma_start3A_72] : memref<1000000x32xf32, #tpu.memory_space<hbm>> -> memref<1000000x32xf32, #tpu.memory_space<hbm>>
    tpu.enqueue_indirect_dma source(%dma_start3A_73 : memref<1000000x32xf32, #tpu.memory_space<hbm>>) target(%dma_start3A_68 : memref<128x32xf32, #tpu.memory_space<vmem>>) offsets(%dma_start3A_70 : memref<128xi32, #tpu.memory_space<vmem>>) semaphore(%arg8 : memref<!tpu.dma_semaphore, #tpu.memory_space<semaphore_mem>>)
    %dma_start3A_74 = arith.constant 1152 : i32
    %dma_start3A_75 = arith.constant 0 : i32
    %dma_start3A_76 = tpu.memref_slice %arg6[%dma_start3A_74, %dma_start3A_75] : memref<1280x32xf32, #tpu.memory_space<vmem>> -> memref<128x32xf32, #tpu.memory_space<vmem>>
    %dma_start3A_77 = arith.constant 1152 : i32
    %dma_start3A_78 = tpu.memref_slice %arg5[%dma_start3A_77] : memref<25600xi32, #tpu.memory_space<vmem>> -> memref<128xi32, #tpu.memory_space<vmem>>
    %dma_start3A_79 = arith.constant 0 : i32
    %dma_start3A_80 = arith.constant 0 : i32
    %dma_start3A_81 = tpu.memref_slice %arg3[%dma_start3A_79, %dma_start3A_80] : memref<1000000x32xf32, #tpu.memory_space<hbm>> -> memref<1000000x32xf32, #tpu.memory_space<hbm>>
    tpu.enqueue_indirect_dma source(%dma_start3A_81 : memref<1000000x32xf32, #tpu.memory_space<hbm>>) target(%dma_start3A_76 : memref<128x32xf32, #tpu.memory_space<vmem>>) offsets(%dma_start3A_78 : memref<128xi32, #tpu.memory_space<vmem>>) semaphore(%arg8 : memref<!tpu.dma_semaphore, #tpu.memory_space<semaphore_mem>>)
    %dma_start3A_82 = arith.constant 0 : i32
    %dma_start3A_83 = arith.constant 0 : i32
    %dma_start3A_84 = tpu.memref_slice %arg7[%dma_start3A_82, %dma_start3A_83] : memref<1280x32xf32, #tpu.memory_space<vmem>> -> memref<128x32xf32, #tpu.memory_space<vmem>>
    %dma_start3A_85 = arith.constant 1280 : i32
    %dma_start3A_86 = tpu.memref_slice %arg5[%dma_start3A_85] : memref<25600xi32, #tpu.memory_space<vmem>> -> memref<128xi32, #tpu.memory_space<vmem>>
    %dma_start3A_87 = arith.constant 0 : i32
    %dma_start3A_88 = arith.constant 0 : i32
    %dma_start3A_89 = tpu.memref_slice %arg3[%dma_start3A_87, %dma_start3A_88] : memref<1000000x32xf32, #tpu.memory_space<hbm>> -> memref<1000000x32xf32, #tpu.memory_space<hbm>>
    tpu.enqueue_indirect_dma source(%dma_start3A_89 : memref<1000000x32xf32, #tpu.memory_space<hbm>>) target(%dma_start3A_84 : memref<128x32xf32, #tpu.memory_space<vmem>>) offsets(%dma_start3A_86 : memref<128xi32, #tpu.memory_space<vmem>>) semaphore(%arg9 : memref<!tpu.dma_semaphore, #tpu.memory_space<semaphore_mem>>)
    %dma_start3A_90 = arith.constant 128 : i32
    %dma_start3A_91 = arith.constant 0 : i32
    %dma_start3A_92 = tpu.memref_slice %arg7[%dma_start3A_90, %dma_start3A_91] : memref<1280x32xf32, #tpu.memory_space<vmem>> -> memref<128x32xf32, #tpu.memory_space<vmem>>
    %dma_start3A_93 = arith.constant 1408 : i32
    %dma_start3A_94 = tpu.memref_slice %arg5[%dma_start3A_93] : memref<25600xi32, #tpu.memory_space<vmem>> -> memref<128xi32, #tpu.memory_space<vmem>>
    %dma_start3A_95 = arith.constant 0 : i32
    %dma_start3A_96 = arith.constant 0 : i32
    %dma_start3A_97 = tpu.memref_slice %arg3[%dma_start3A_95, %dma_start3A_96] : memref<1000000x32xf32, #tpu.memory_space<hbm>> -> memref<1000000x32xf32, #tpu.memory_space<hbm>>
    tpu.enqueue_indirect_dma source(%dma_start3A_97 : memref<1000000x32xf32, #tpu.memory_space<hbm>>) target(%dma_start3A_92 : memref<128x32xf32, #tpu.memory_space<vmem>>) offsets(%dma_start3A_94 : memref<128xi32, #tpu.memory_space<vmem>>) semaphore(%arg9 : memref<!tpu.dma_semaphore, #tpu.memory_space<semaphore_mem>>)
    %dma_start3A_98 = arith.constant 256 : i32
    %dma_start3A_99 = arith.constant 0 : i32
    %dma_start3A_100 = tpu.memref_slice %arg7[%dma_start3A_98, %dma_start3A_99] : memref<1280x32xf32, #tpu.memory_space<vmem>> -> memref<128x32xf32, #tpu.memory_space<vmem>>
    %dma_start3A_101 = arith.constant 1536 : i32
    %dma_start3A_102 = tpu.memref_slice %arg5[%dma_start3A_101] : memref<25600xi32, #tpu.memory_space<vmem>> -> memref<128xi32, #tpu.memory_space<vmem>>
    %dma_start3A_103 = arith.constant 0 : i32
    %dma_start3A_104 = arith.constant 0 : i32
    %dma_start3A_105 = tpu.memref_slice %arg3[%dma_start3A_103, %dma_start3A_104] : memref<1000000x32xf32, #tpu.memory_space<hbm>> -> memref<1000000x32xf32, #tpu.memory_space<hbm>>
    tpu.enqueue_indirect_dma source(%dma_start3A_105 : memref<1000000x32xf32, #tpu.memory_space<hbm>>) target(%dma_start3A_100 : memref<128x32xf32, #tpu.memory_space<vmem>>) offsets(%dma_start3A_102 : memref<128xi32, #tpu.memory_space<vmem>>) semaphore(%arg9 : memref<!tpu.dma_semaphore, #tpu.memory_space<semaphore_mem>>)
    %dma_start3A_106 = arith.constant 384 : i32
    %dma_start3A_107 = arith.constant 0 : i32
    %dma_start3A_108 = tpu.memref_slice %arg7[%dma_start3A_106, %dma_start3A_107] : memref<1280x32xf32, #tpu.memory_space<vmem>> -> memref<128x32xf32, #tpu.memory_space<vmem>>
    %dma_start3A_109 = arith.constant 1664 : i32
    %dma_start3A_110 = tpu.memref_slice %arg5[%dma_start3A_109] : memref<25600xi32, #tpu.memory_space<vmem>> -> memref<128xi32, #tpu.memory_space<vmem>>
    %dma_start3A_111 = arith.constant 0 : i32
    %dma_start3A_112 = arith.constant 0 : i32
    %dma_start3A_113 = tpu.memref_slice %arg3[%dma_start3A_111, %dma_start3A_112] : memref<1000000x32xf32, #tpu.memory_space<hbm>> -> memref<1000000x32xf32, #tpu.memory_space<hbm>>
    tpu.enqueue_indirect_dma source(%dma_start3A_113 : memref<1000000x32xf32, #tpu.memory_space<hbm>>) target(%dma_start3A_108 : memref<128x32xf32, #tpu.memory_space<vmem>>) offsets(%dma_start3A_110 : memref<128xi32, #tpu.memory_space<vmem>>) semaphore(%arg9 : memref<!tpu.dma_semaphore, #tpu.memory_space<semaphore_mem>>)
    %dma_start3A_114 = arith.constant 512 : i32
    %dma_start3A_115 = arith.constant 0 : i32
    %dma_start3A_116 = tpu.memref_slice %arg7[%dma_start3A_114, %dma_start3A_115] : memref<1280x32xf32, #tpu.memory_space<vmem>> -> memref<128x32xf32, #tpu.memory_space<vmem>>
    %dma_start3A_117 = arith.constant 1792 : i32
    %dma_start3A_118 = tpu.memref_slice %arg5[%dma_start3A_117] : memref<25600xi32, #tpu.memory_space<vmem>> -> memref<128xi32, #tpu.memory_space<vmem>>
    %dma_start3A_119 = arith.constant 0 : i32
    %dma_start3A_120 = arith.constant 0 : i32
    %dma_start3A_121 = tpu.memref_slice %arg3[%dma_start3A_119, %dma_start3A_120] : memref<1000000x32xf32, #tpu.memory_space<hbm>> -> memref<1000000x32xf32, #tpu.memory_space<hbm>>
    tpu.enqueue_indirect_dma source(%dma_start3A_121 : memref<1000000x32xf32, #tpu.memory_space<hbm>>) target(%dma_start3A_116 : memref<128x32xf32, #tpu.memory_space<vmem>>) offsets(%dma_start3A_118 : memref<128xi32, #tpu.memory_space<vmem>>) semaphore(%arg9 : memref<!tpu.dma_semaphore, #tpu.memory_space<semaphore_mem>>)
    %dma_start3A_122 = arith.constant 640 : i32
    %dma_start3A_123 = arith.constant 0 : i32
    %dma_start3A_124 = tpu.memref_slice %arg7[%dma_start3A_122, %dma_start3A_123] : memref<1280x32xf32, #tpu.memory_space<vmem>> -> memref<128x32xf32, #tpu.memory_space<vmem>>
    %dma_start3A_125 = arith.constant 1920 : i32
    %dma_start3A_126 = tpu.memref_slice %arg5[%dma_start3A_125] : memref<25600xi32, #tpu.memory_space<vmem>> -> memref<128xi32, #tpu.memory_space<vmem>>
    %dma_start3A_127 = arith.constant 0 : i32
    %dma_start3A_128 = arith.constant 0 : i32
    %dma_start3A_129 = tpu.memref_slice %arg3[%dma_start3A_127, %dma_start3A_128] : memref<1000000x32xf32, #tpu.memory_space<hbm>> -> memref<1000000x32xf32, #tpu.memory_space<hbm>>
    tpu.enqueue_indirect_dma source(%dma_start3A_129 : memref<1000000x32xf32, #tpu.memory_space<hbm>>) target(%dma_start3A_124 : memref<128x32xf32, #tpu.memory_space<vmem>>) offsets(%dma_start3A_126 : memref<128xi32, #tpu.memory_space<vmem>>) semaphore(%arg9 : memref<!tpu.dma_semaphore, #tpu.memory_space<semaphore_mem>>)
    %dma_start3A_130 = arith.constant 768 : i32
    %dma_start3A_131 = arith.constant 0 : i32
    %dma_start3A_132 = tpu.memref_slice %arg7[%dma_start3A_130, %dma_start3A_131] : memref<1280x32xf32, #tpu.memory_space<vmem>> -> memref<128x32xf32, #tpu.memory_space<vmem>>
    %dma_start3A_133 = arith.constant 2048 : i32
    %dma_start3A_134 = tpu.memref_slice %arg5[%dma_start3A_133] : memref<25600xi32, #tpu.memory_space<vmem>> -> memref<128xi32, #tpu.memory_space<vmem>>
    %dma_start3A_135 = arith.constant 0 : i32
    %dma_start3A_136 = arith.constant 0 : i32
    %dma_start3A_137 = tpu.memref_slice %arg3[%dma_start3A_135, %dma_start3A_136] : memref<1000000x32xf32, #tpu.memory_space<hbm>> -> memref<1000000x32xf32, #tpu.memory_space<hbm>>
    tpu.enqueue_indirect_dma source(%dma_start3A_137 : memref<1000000x32xf32, #tpu.memory_space<hbm>>) target(%dma_start3A_132 : memref<128x32xf32, #tpu.memory_space<vmem>>) offsets(%dma_start3A_134 : memref<128xi32, #tpu.memory_space<vmem>>) semaphore(%arg9 : memref<!tpu.dma_semaphore, #tpu.memory_space<semaphore_mem>>)
    %dma_start3A_138 = arith.constant 896 : i32
    %dma_start3A_139 = arith.constant 0 : i32
    %dma_start3A_140 = tpu.memref_slice %arg7[%dma_start3A_138, %dma_start3A_139] : memref<1280x32xf32, #tpu.memory_space<vmem>> -> memref<128x32xf32, #tpu.memory_space<vmem>>
    %dma_start3A_141 = arith.constant 2176 : i32
    %dma_start3A_142 = tpu.memref_slice %arg5[%dma_start3A_141] : memref<25600xi32, #tpu.memory_space<vmem>> -> memref<128xi32, #tpu.memory_space<vmem>>
    %dma_start3A_143 = arith.constant 0 : i32
    %dma_start3A_144 = arith.constant 0 : i32
    %dma_start3A_145 = tpu.memref_slice %arg3[%dma_start3A_143, %dma_start3A_144] : memref<1000000x32xf32, #tpu.memory_space<hbm>> -> memref<1000000x32xf32, #tpu.memory_space<hbm>>
    tpu.enqueue_indirect_dma source(%dma_start3A_145 : memref<1000000x32xf32, #tpu.memory_space<hbm>>) target(%dma_start3A_140 : memref<128x32xf32, #tpu.memory_space<vmem>>) offsets(%dma_start3A_142 : memref<128xi32, #tpu.memory_space<vmem>>) semaphore(%arg9 : memref<!tpu.dma_semaphore, #tpu.memory_space<semaphore_mem>>)
    %dma_start3A_146 = arith.constant 1024 : i32
    %dma_start3A_147 = arith.constant 0 : i32
    %dma_start3A_148 = tpu.memref_slice %arg7[%dma_start3A_146, %dma_start3A_147] : memref<1280x32xf32, #tpu.memory_space<vmem>> -> memref<128x32xf32, #tpu.memory_space<vmem>>
    %dma_start3A_149 = arith.constant 2304 : i32
    %dma_start3A_150 = tpu.memref_slice %arg5[%dma_start3A_149] : memref<25600xi32, #tpu.memory_space<vmem>> -> memref<128xi32, #tpu.memory_space<vmem>>
    %dma_start3A_151 = arith.constant 0 : i32
    %dma_start3A_152 = arith.constant 0 : i32
    %dma_start3A_153 = tpu.memref_slice %arg3[%dma_start3A_151, %dma_start3A_152] : memref<1000000x32xf32, #tpu.memory_space<hbm>> -> memref<1000000x32xf32, #tpu.memory_space<hbm>>
    tpu.enqueue_indirect_dma source(%dma_start3A_153 : memref<1000000x32xf32, #tpu.memory_space<hbm>>) target(%dma_start3A_148 : memref<128x32xf32, #tpu.memory_space<vmem>>) offsets(%dma_start3A_150 : memref<128xi32, #tpu.memory_space<vmem>>) semaphore(%arg9 : memref<!tpu.dma_semaphore, #tpu.memory_space<semaphore_mem>>)
    %dma_start3A_154 = arith.constant 1152 : i32
    %dma_start3A_155 = arith.constant 0 : i32
    %dma_start3A_156 = tpu.memref_slice %arg7[%dma_start3A_154, %dma_start3A_155] : memref<1280x32xf32, #tpu.memory_space<vmem>> -> memref<128x32xf32, #tpu.memory_space<vmem>>
    %dma_start3A_157 = arith.constant 2432 : i32
    %dma_start3A_158 = tpu.memref_slice %arg5[%dma_start3A_157] : memref<25600xi32, #tpu.memory_space<vmem>> -> memref<128xi32, #tpu.memory_space<vmem>>
    %dma_start3A_159 = arith.constant 0 : i32
    %dma_start3A_160 = arith.constant 0 : i32
    %dma_start3A_161 = tpu.memref_slice %arg3[%dma_start3A_159, %dma_start3A_160] : memref<1000000x32xf32, #tpu.memory_space<hbm>> -> memref<1000000x32xf32, #tpu.memory_space<hbm>>
    tpu.enqueue_indirect_dma source(%dma_start3A_161 : memref<1000000x32xf32, #tpu.memory_space<hbm>>) target(%dma_start3A_156 : memref<128x32xf32, #tpu.memory_space<vmem>>) offsets(%dma_start3A_158 : memref<128xi32, #tpu.memory_space<vmem>>) semaphore(%arg9 : memref<!tpu.dma_semaphore, #tpu.memory_space<semaphore_mem>>)
    %scan3A = arith.constant 0 : i32
    %scan3A_162 = arith.constant 0 : i32
    %scan3A_163 = arith.constant 9 : i32
    %scan3A_164 = arith.addi %scan3A_162, %scan3A_163 : i32
    %scan3A_165 = arith.constant 1 : i32
    scf.for %scan3A_200 = %scan3A_162 to %scan3A_164 step %scan3A_165  : i32 {
      %mul3A_201 = arith.constant 2 : i32
      %mul3A_202 = arith.muli %mul3A_201, %scan3A_200 : i32
      %mul3A_203 = arith.constant 1280 : i32
      %mul3A_204 = arith.muli %mul3A_202, %mul3A_203 : i32
      %add3A_205 = arith.constant 1280 : i32
      %add3A_206 = arith.addi %mul3A_204, %add3A_205 : i32
      %dma_wait3A_207 = arith.constant 0 : i32
      %dma_wait3A_208 = arith.constant 0 : i32
      %dma_wait3A_209 = tpu.memref_slice %arg3[%dma_wait3A_207, %dma_wait3A_208] : memref<1000000x32xf32, #tpu.memory_space<hbm>> -> memref<1280x32xf32, #tpu.memory_space<hbm>>
      %dma_wait3A_210 = arith.constant 0 : i32
      %dma_wait3A_211 = arith.constant 0 : i32
      %dma_wait3A_212 = tpu.memref_slice %arg3[%dma_wait3A_210, %dma_wait3A_211] : memref<1000000x32xf32, #tpu.memory_space<hbm>> -> memref<1280x32xf32, #tpu.memory_space<hbm>>
      tpu.wait_dma2 semaphore(%arg8 : memref<!tpu.dma_semaphore, #tpu.memory_space<semaphore_mem>>) src(%dma_wait3A_212 : memref<1280x32xf32, #tpu.memory_space<hbm>>) dst(%arg6 : memref<1280x32xf32, #tpu.memory_space<vmem>>)
      %add3A_213 = arith.addi %mul3A_2, %mul3A_204 : i32
      %dma_start3A_214 = arith.constant 0 : i32
      %dma_start3A_215 = tpu.memref_slice %arg4[%add3A_213, %dma_start3A_214] : memref<819200x32xf32, #tpu.memory_space<hbm>> -> memref<1280x32xf32, #tpu.memory_space<hbm>>
      %dma_start3A_216 = arith.constant 0 : i32
      %dma_start3A_217 = tpu.memref_slice %arg4[%add3A_213, %dma_start3A_216] : memref<819200x32xf32, #tpu.memory_space<hbm>> -> memref<1280x32xf32, #tpu.memory_space<hbm>>
      tpu.enqueue_dma source(%arg6 : memref<1280x32xf32, #tpu.memory_space<vmem>>) target(%dma_start3A_217 : memref<1280x32xf32, #tpu.memory_space<hbm>>) target_semaphore(%arg10 : memref<!tpu.dma_semaphore, #tpu.memory_space<semaphore_mem>>)
      %dma_wait3A_218 = arith.constant 0 : i32
      %dma_wait3A_219 = arith.constant 0 : i32
      %dma_wait3A_220 = tpu.memref_slice %arg3[%dma_wait3A_218, %dma_wait3A_219] : memref<1000000x32xf32, #tpu.memory_space<hbm>> -> memref<1280x32xf32, #tpu.memory_space<hbm>>
      %dma_wait3A_221 = arith.constant 0 : i32
      %dma_wait3A_222 = arith.constant 0 : i32
      %dma_wait3A_223 = tpu.memref_slice %arg3[%dma_wait3A_221, %dma_wait3A_222] : memref<1000000x32xf32, #tpu.memory_space<hbm>> -> memref<1280x32xf32, #tpu.memory_space<hbm>>
      tpu.wait_dma2 semaphore(%arg9 : memref<!tpu.dma_semaphore, #tpu.memory_space<semaphore_mem>>) src(%dma_wait3A_223 : memref<1280x32xf32, #tpu.memory_space<hbm>>) dst(%arg7 : memref<1280x32xf32, #tpu.memory_space<vmem>>)
      %add3A_224 = arith.addi %mul3A_2, %add3A_206 : i32
      %dma_start3A_225 = arith.constant 0 : i32
      %dma_start3A_226 = tpu.memref_slice %arg4[%add3A_224, %dma_start3A_225] : memref<819200x32xf32, #tpu.memory_space<hbm>> -> memref<1280x32xf32, #tpu.memory_space<hbm>>
      %dma_start3A_227 = arith.constant 0 : i32
      %dma_start3A_228 = tpu.memref_slice %arg4[%add3A_224, %dma_start3A_227] : memref<819200x32xf32, #tpu.memory_space<hbm>> -> memref<1280x32xf32, #tpu.memory_space<hbm>>
      tpu.enqueue_dma source(%arg7 : memref<1280x32xf32, #tpu.memory_space<vmem>>) target(%dma_start3A_228 : memref<1280x32xf32, #tpu.memory_space<hbm>>) target_semaphore(%arg11 : memref<!tpu.dma_semaphore, #tpu.memory_space<semaphore_mem>>)
      %dma_wait3A_229 = arith.constant 0 : i32
      %dma_wait3A_230 = tpu.memref_slice %arg4[%mul3A_2, %dma_wait3A_229] : memref<819200x32xf32, #tpu.memory_space<hbm>> -> memref<1280x32xf32, #tpu.memory_space<hbm>>
      %dma_wait3A_231 = arith.constant 0 : i32
      %dma_wait3A_232 = tpu.memref_slice %arg4[%mul3A_2, %dma_wait3A_231] : memref<819200x32xf32, #tpu.memory_space<hbm>> -> memref<1280x32xf32, #tpu.memory_space<hbm>>
      tpu.wait_dma2 semaphore(%arg10 : memref<!tpu.dma_semaphore, #tpu.memory_space<semaphore_mem>>) src(%arg6 : memref<1280x32xf32, #tpu.memory_space<vmem>>) dst(%dma_wait3A_232 : memref<1280x32xf32, #tpu.memory_space<hbm>>)
      %add3A_233 = arith.constant 1280 : i32
      %add3A_234 = arith.addi %add3A_206, %add3A_233 : i32
      %add3A_235 = arith.constant 0 : i32
      %add3A_236 = arith.addi %add3A_234, %add3A_235 : i32
      %dma_start3A_237 = arith.constant 0 : i32
      %dma_start3A_238 = arith.constant 0 : i32
      %dma_start3A_239 = tpu.memref_slice %arg6[%dma_start3A_237, %dma_start3A_238] : memref<1280x32xf32, #tpu.memory_space<vmem>> -> memref<128x32xf32, #tpu.memory_space<vmem>>
      %dma_start3A_240 = tpu.memref_slice %arg5[%add3A_236] : memref<25600xi32, #tpu.memory_space<vmem>> -> memref<128xi32, #tpu.memory_space<vmem>>
      %dma_start3A_241 = arith.constant 0 : i32
      %dma_start3A_242 = arith.constant 0 : i32
      %dma_start3A_243 = tpu.memref_slice %arg3[%dma_start3A_241, %dma_start3A_242] : memref<1000000x32xf32, #tpu.memory_space<hbm>> -> memref<1000000x32xf32, #tpu.memory_space<hbm>>
      tpu.enqueue_indirect_dma source(%dma_start3A_243 : memref<1000000x32xf32, #tpu.memory_space<hbm>>) target(%dma_start3A_239 : memref<128x32xf32, #tpu.memory_space<vmem>>) offsets(%dma_start3A_240 : memref<128xi32, #tpu.memory_space<vmem>>) semaphore(%arg8 : memref<!tpu.dma_semaphore, #tpu.memory_space<semaphore_mem>>)
      %add3A_244 = arith.constant 128 : i32
      %add3A_245 = arith.addi %add3A_234, %add3A_244 : i32
      %dma_start3A_246 = arith.constant 128 : i32
      %dma_start3A_247 = arith.constant 0 : i32
      %dma_start3A_248 = tpu.memref_slice %arg6[%dma_start3A_246, %dma_start3A_247] : memref<1280x32xf32, #tpu.memory_space<vmem>> -> memref<128x32xf32, #tpu.memory_space<vmem>>
      %dma_start3A_249 = tpu.memref_slice %arg5[%add3A_245] : memref<25600xi32, #tpu.memory_space<vmem>> -> memref<128xi32, #tpu.memory_space<vmem>>
      %dma_start3A_250 = arith.constant 0 : i32
      %dma_start3A_251 = arith.constant 0 : i32
      %dma_start3A_252 = tpu.memref_slice %arg3[%dma_start3A_250, %dma_start3A_251] : memref<1000000x32xf32, #tpu.memory_space<hbm>> -> memref<1000000x32xf32, #tpu.memory_space<hbm>>
      tpu.enqueue_indirect_dma source(%dma_start3A_252 : memref<1000000x32xf32, #tpu.memory_space<hbm>>) target(%dma_start3A_248 : memref<128x32xf32, #tpu.memory_space<vmem>>) offsets(%dma_start3A_249 : memref<128xi32, #tpu.memory_space<vmem>>) semaphore(%arg8 : memref<!tpu.dma_semaphore, #tpu.memory_space<semaphore_mem>>)
      %add3A_253 = arith.constant 256 : i32
      %add3A_254 = arith.addi %add3A_234, %add3A_253 : i32
      %dma_start3A_255 = arith.constant 256 : i32
      %dma_start3A_256 = arith.constant 0 : i32
      %dma_start3A_257 = tpu.memref_slice %arg6[%dma_start3A_255, %dma_start3A_256] : memref<1280x32xf32, #tpu.memory_space<vmem>> -> memref<128x32xf32, #tpu.memory_space<vmem>>
      %dma_start3A_258 = tpu.memref_slice %arg5[%add3A_254] : memref<25600xi32, #tpu.memory_space<vmem>> -> memref<128xi32, #tpu.memory_space<vmem>>
      %dma_start3A_259 = arith.constant 0 : i32
      %dma_start3A_260 = arith.constant 0 : i32
      %dma_start3A_261 = tpu.memref_slice %arg3[%dma_start3A_259, %dma_start3A_260] : memref<1000000x32xf32, #tpu.memory_space<hbm>> -> memref<1000000x32xf32, #tpu.memory_space<hbm>>
      tpu.enqueue_indirect_dma source(%dma_start3A_261 : memref<1000000x32xf32, #tpu.memory_space<hbm>>) target(%dma_start3A_257 : memref<128x32xf32, #tpu.memory_space<vmem>>) offsets(%dma_start3A_258 : memref<128xi32, #tpu.memory_space<vmem>>) semaphore(%arg8 : memref<!tpu.dma_semaphore, #tpu.memory_space<semaphore_mem>>)
      %add3A_262 = arith.constant 384 : i32
      %add3A_263 = arith.addi %add3A_234, %add3A_262 : i32
      %dma_start3A_264 = arith.constant 384 : i32
      %dma_start3A_265 = arith.constant 0 : i32
      %dma_start3A_266 = tpu.memref_slice %arg6[%dma_start3A_264, %dma_start3A_265] : memref<1280x32xf32, #tpu.memory_space<vmem>> -> memref<128x32xf32, #tpu.memory_space<vmem>>
      %dma_start3A_267 = tpu.memref_slice %arg5[%add3A_263] : memref<25600xi32, #tpu.memory_space<vmem>> -> memref<128xi32, #tpu.memory_space<vmem>>
      %dma_start3A_268 = arith.constant 0 : i32
      %dma_start3A_269 = arith.constant 0 : i32
      %dma_start3A_270 = tpu.memref_slice %arg3[%dma_start3A_268, %dma_start3A_269] : memref<1000000x32xf32, #tpu.memory_space<hbm>> -> memref<1000000x32xf32, #tpu.memory_space<hbm>>
      tpu.enqueue_indirect_dma source(%dma_start3A_270 : memref<1000000x32xf32, #tpu.memory_space<hbm>>) target(%dma_start3A_266 : memref<128x32xf32, #tpu.memory_space<vmem>>) offsets(%dma_start3A_267 : memref<128xi32, #tpu.memory_space<vmem>>) semaphore(%arg8 : memref<!tpu.dma_semaphore, #tpu.memory_space<semaphore_mem>>)
      %add3A_271 = arith.constant 512 : i32
      %add3A_272 = arith.addi %add3A_234, %add3A_271 : i32
      %dma_start3A_273 = arith.constant 512 : i32
      %dma_start3A_274 = arith.constant 0 : i32
      %dma_start3A_275 = tpu.memref_slice %arg6[%dma_start3A_273, %dma_start3A_274] : memref<1280x32xf32, #tpu.memory_space<vmem>> -> memref<128x32xf32, #tpu.memory_space<vmem>>
      %dma_start3A_276 = tpu.memref_slice %arg5[%add3A_272] : memref<25600xi32, #tpu.memory_space<vmem>> -> memref<128xi32, #tpu.memory_space<vmem>>
      %dma_start3A_277 = arith.constant 0 : i32
      %dma_start3A_278 = arith.constant 0 : i32
      %dma_start3A_279 = tpu.memref_slice %arg3[%dma_start3A_277, %dma_start3A_278] : memref<1000000x32xf32, #tpu.memory_space<hbm>> -> memref<1000000x32xf32, #tpu.memory_space<hbm>>
      tpu.enqueue_indirect_dma source(%dma_start3A_279 : memref<1000000x32xf32, #tpu.memory_space<hbm>>) target(%dma_start3A_275 : memref<128x32xf32, #tpu.memory_space<vmem>>) offsets(%dma_start3A_276 : memref<128xi32, #tpu.memory_space<vmem>>) semaphore(%arg8 : memref<!tpu.dma_semaphore, #tpu.memory_space<semaphore_mem>>)
      %add3A_280 = arith.constant 640 : i32
      %add3A_281 = arith.addi %add3A_234, %add3A_280 : i32
      %dma_start3A_282 = arith.constant 640 : i32
      %dma_start3A_283 = arith.constant 0 : i32
      %dma_start3A_284 = tpu.memref_slice %arg6[%dma_start3A_282, %dma_start3A_283] : memref<1280x32xf32, #tpu.memory_space<vmem>> -> memref<128x32xf32, #tpu.memory_space<vmem>>
      %dma_start3A_285 = tpu.memref_slice %arg5[%add3A_281] : memref<25600xi32, #tpu.memory_space<vmem>> -> memref<128xi32, #tpu.memory_space<vmem>>
      %dma_start3A_286 = arith.constant 0 : i32
      %dma_start3A_287 = arith.constant 0 : i32
      %dma_start3A_288 = tpu.memref_slice %arg3[%dma_start3A_286, %dma_start3A_287] : memref<1000000x32xf32, #tpu.memory_space<hbm>> -> memref<1000000x32xf32, #tpu.memory_space<hbm>>
      tpu.enqueue_indirect_dma source(%dma_start3A_288 : memref<1000000x32xf32, #tpu.memory_space<hbm>>) target(%dma_start3A_284 : memref<128x32xf32, #tpu.memory_space<vmem>>) offsets(%dma_start3A_285 : memref<128xi32, #tpu.memory_space<vmem>>) semaphore(%arg8 : memref<!tpu.dma_semaphore, #tpu.memory_space<semaphore_mem>>)
      %add3A_289 = arith.constant 768 : i32
      %add3A_290 = arith.addi %add3A_234, %add3A_289 : i32
      %dma_start3A_291 = arith.constant 768 : i32
      %dma_start3A_292 = arith.constant 0 : i32
      %dma_start3A_293 = tpu.memref_slice %arg6[%dma_start3A_291, %dma_start3A_292] : memref<1280x32xf32, #tpu.memory_space<vmem>> -> memref<128x32xf32, #tpu.memory_space<vmem>>
      %dma_start3A_294 = tpu.memref_slice %arg5[%add3A_290] : memref<25600xi32, #tpu.memory_space<vmem>> -> memref<128xi32, #tpu.memory_space<vmem>>
      %dma_start3A_295 = arith.constant 0 : i32
      %dma_start3A_296 = arith.constant 0 : i32
      %dma_start3A_297 = tpu.memref_slice %arg3[%dma_start3A_295, %dma_start3A_296] : memref<1000000x32xf32, #tpu.memory_space<hbm>> -> memref<1000000x32xf32, #tpu.memory_space<hbm>>
      tpu.enqueue_indirect_dma source(%dma_start3A_297 : memref<1000000x32xf32, #tpu.memory_space<hbm>>) target(%dma_start3A_293 : memref<128x32xf32, #tpu.memory_space<vmem>>) offsets(%dma_start3A_294 : memref<128xi32, #tpu.memory_space<vmem>>) semaphore(%arg8 : memref<!tpu.dma_semaphore, #tpu.memory_space<semaphore_mem>>)
      %add3A_298 = arith.constant 896 : i32
      %add3A_299 = arith.addi %add3A_234, %add3A_298 : i32
      %dma_start3A_300 = arith.constant 896 : i32
      %dma_start3A_301 = arith.constant 0 : i32
      %dma_start3A_302 = tpu.memref_slice %arg6[%dma_start3A_300, %dma_start3A_301] : memref<1280x32xf32, #tpu.memory_space<vmem>> -> memref<128x32xf32, #tpu.memory_space<vmem>>
      %dma_start3A_303 = tpu.memref_slice %arg5[%add3A_299] : memref<25600xi32, #tpu.memory_space<vmem>> -> memref<128xi32, #tpu.memory_space<vmem>>
      %dma_start3A_304 = arith.constant 0 : i32
      %dma_start3A_305 = arith.constant 0 : i32
      %dma_start3A_306 = tpu.memref_slice %arg3[%dma_start3A_304, %dma_start3A_305] : memref<1000000x32xf32, #tpu.memory_space<hbm>> -> memref<1000000x32xf32, #tpu.memory_space<hbm>>
      tpu.enqueue_indirect_dma source(%dma_start3A_306 : memref<1000000x32xf32, #tpu.memory_space<hbm>>) target(%dma_start3A_302 : memref<128x32xf32, #tpu.memory_space<vmem>>) offsets(%dma_start3A_303 : memref<128xi32, #tpu.memory_space<vmem>>) semaphore(%arg8 : memref<!tpu.dma_semaphore, #tpu.memory_space<semaphore_mem>>)
      %add3A_307 = arith.constant 1024 : i32
      %add3A_308 = arith.addi %add3A_234, %add3A_307 : i32
      %dma_start3A_309 = arith.constant 1024 : i32
      %dma_start3A_310 = arith.constant 0 : i32
      %dma_start3A_311 = tpu.memref_slice %arg6[%dma_start3A_309, %dma_start3A_310] : memref<1280x32xf32, #tpu.memory_space<vmem>> -> memref<128x32xf32, #tpu.memory_space<vmem>>
      %dma_start3A_312 = tpu.memref_slice %arg5[%add3A_308] : memref<25600xi32, #tpu.memory_space<vmem>> -> memref<128xi32, #tpu.memory_space<vmem>>
      %dma_start3A_313 = arith.constant 0 : i32
      %dma_start3A_314 = arith.constant 0 : i32
      %dma_start3A_315 = tpu.memref_slice %arg3[%dma_start3A_313, %dma_start3A_314] : memref<1000000x32xf32, #tpu.memory_space<hbm>> -> memref<1000000x32xf32, #tpu.memory_space<hbm>>
      tpu.enqueue_indirect_dma source(%dma_start3A_315 : memref<1000000x32xf32, #tpu.memory_space<hbm>>) target(%dma_start3A_311 : memref<128x32xf32, #tpu.memory_space<vmem>>) offsets(%dma_start3A_312 : memref<128xi32, #tpu.memory_space<vmem>>) semaphore(%arg8 : memref<!tpu.dma_semaphore, #tpu.memory_space<semaphore_mem>>)
      %add3A_316 = arith.constant 1152 : i32
      %add3A_317 = arith.addi %add3A_234, %add3A_316 : i32
      %dma_start3A_318 = arith.constant 1152 : i32
      %dma_start3A_319 = arith.constant 0 : i32
      %dma_start3A_320 = tpu.memref_slice %arg6[%dma_start3A_318, %dma_start3A_319] : memref<1280x32xf32, #tpu.memory_space<vmem>> -> memref<128x32xf32, #tpu.memory_space<vmem>>
      %dma_start3A_321 = tpu.memref_slice %arg5[%add3A_317] : memref<25600xi32, #tpu.memory_space<vmem>> -> memref<128xi32, #tpu.memory_space<vmem>>
      %dma_start3A_322 = arith.constant 0 : i32
      %dma_start3A_323 = arith.constant 0 : i32
      %dma_start3A_324 = tpu.memref_slice %arg3[%dma_start3A_322, %dma_start3A_323] : memref<1000000x32xf32, #tpu.memory_space<hbm>> -> memref<1000000x32xf32, #tpu.memory_space<hbm>>
      tpu.enqueue_indirect_dma source(%dma_start3A_324 : memref<1000000x32xf32, #tpu.memory_space<hbm>>) target(%dma_start3A_320 : memref<128x32xf32, #tpu.memory_space<vmem>>) offsets(%dma_start3A_321 : memref<128xi32, #tpu.memory_space<vmem>>) semaphore(%arg8 : memref<!tpu.dma_semaphore, #tpu.memory_space<semaphore_mem>>)
      %dma_wait3A_325 = arith.constant 0 : i32
      %dma_wait3A_326 = tpu.memref_slice %arg4[%mul3A_2, %dma_wait3A_325] : memref<819200x32xf32, #tpu.memory_space<hbm>> -> memref<1280x32xf32, #tpu.memory_space<hbm>>
      %dma_wait3A_327 = arith.constant 0 : i32
      %dma_wait3A_328 = tpu.memref_slice %arg4[%mul3A_2, %dma_wait3A_327] : memref<819200x32xf32, #tpu.memory_space<hbm>> -> memref<1280x32xf32, #tpu.memory_space<hbm>>
      tpu.wait_dma2 semaphore(%arg11 : memref<!tpu.dma_semaphore, #tpu.memory_space<semaphore_mem>>) src(%arg7 : memref<1280x32xf32, #tpu.memory_space<vmem>>) dst(%dma_wait3A_328 : memref<1280x32xf32, #tpu.memory_space<hbm>>)
      %add3A_329 = arith.constant 2560 : i32
      %add3A_330 = arith.addi %add3A_206, %add3A_329 : i32
      %add3A_331 = arith.constant 0 : i32
      %add3A_332 = arith.addi %add3A_330, %add3A_331 : i32
      %dma_start3A_333 = arith.constant 0 : i32
      %dma_start3A_334 = arith.constant 0 : i32
      %dma_start3A_335 = tpu.memref_slice %arg7[%dma_start3A_333, %dma_start3A_334] : memref<1280x32xf32, #tpu.memory_space<vmem>> -> memref<128x32xf32, #tpu.memory_space<vmem>>
      %dma_start3A_336 = tpu.memref_slice %arg5[%add3A_332] : memref<25600xi32, #tpu.memory_space<vmem>> -> memref<128xi32, #tpu.memory_space<vmem>>
      %dma_start3A_337 = arith.constant 0 : i32
      %dma_start3A_338 = arith.constant 0 : i32
      %dma_start3A_339 = tpu.memref_slice %arg3[%dma_start3A_337, %dma_start3A_338] : memref<1000000x32xf32, #tpu.memory_space<hbm>> -> memref<1000000x32xf32, #tpu.memory_space<hbm>>
      tpu.enqueue_indirect_dma source(%dma_start3A_339 : memref<1000000x32xf32, #tpu.memory_space<hbm>>) target(%dma_start3A_335 : memref<128x32xf32, #tpu.memory_space<vmem>>) offsets(%dma_start3A_336 : memref<128xi32, #tpu.memory_space<vmem>>) semaphore(%arg9 : memref<!tpu.dma_semaphore, #tpu.memory_space<semaphore_mem>>)
      %add3A_340 = arith.constant 128 : i32
      %add3A_341 = arith.addi %add3A_330, %add3A_340 : i32
      %dma_start3A_342 = arith.constant 128 : i32
      %dma_start3A_343 = arith.constant 0 : i32
      %dma_start3A_344 = tpu.memref_slice %arg7[%dma_start3A_342, %dma_start3A_343] : memref<1280x32xf32, #tpu.memory_space<vmem>> -> memref<128x32xf32, #tpu.memory_space<vmem>>
      %dma_start3A_345 = tpu.memref_slice %arg5[%add3A_341] : memref<25600xi32, #tpu.memory_space<vmem>> -> memref<128xi32, #tpu.memory_space<vmem>>
      %dma_start3A_346 = arith.constant 0 : i32
      %dma_start3A_347 = arith.constant 0 : i32
      %dma_start3A_348 = tpu.memref_slice %arg3[%dma_start3A_346, %dma_start3A_347] : memref<1000000x32xf32, #tpu.memory_space<hbm>> -> memref<1000000x32xf32, #tpu.memory_space<hbm>>
      tpu.enqueue_indirect_dma source(%dma_start3A_348 : memref<1000000x32xf32, #tpu.memory_space<hbm>>) target(%dma_start3A_344 : memref<128x32xf32, #tpu.memory_space<vmem>>) offsets(%dma_start3A_345 : memref<128xi32, #tpu.memory_space<vmem>>) semaphore(%arg9 : memref<!tpu.dma_semaphore, #tpu.memory_space<semaphore_mem>>)
      %add3A_349 = arith.constant 256 : i32
      %add3A_350 = arith.addi %add3A_330, %add3A_349 : i32
      %dma_start3A_351 = arith.constant 256 : i32
      %dma_start3A_352 = arith.constant 0 : i32
      %dma_start3A_353 = tpu.memref_slice %arg7[%dma_start3A_351, %dma_start3A_352] : memref<1280x32xf32, #tpu.memory_space<vmem>> -> memref<128x32xf32, #tpu.memory_space<vmem>>
      %dma_start3A_354 = tpu.memref_slice %arg5[%add3A_350] : memref<25600xi32, #tpu.memory_space<vmem>> -> memref<128xi32, #tpu.memory_space<vmem>>
      %dma_start3A_355 = arith.constant 0 : i32
      %dma_start3A_356 = arith.constant 0 : i32
      %dma_start3A_357 = tpu.memref_slice %arg3[%dma_start3A_355, %dma_start3A_356] : memref<1000000x32xf32, #tpu.memory_space<hbm>> -> memref<1000000x32xf32, #tpu.memory_space<hbm>>
      tpu.enqueue_indirect_dma source(%dma_start3A_357 : memref<1000000x32xf32, #tpu.memory_space<hbm>>) target(%dma_start3A_353 : memref<128x32xf32, #tpu.memory_space<vmem>>) offsets(%dma_start3A_354 : memref<128xi32, #tpu.memory_space<vmem>>) semaphore(%arg9 : memref<!tpu.dma_semaphore, #tpu.memory_space<semaphore_mem>>)
      %add3A_358 = arith.constant 384 : i32
      %add3A_359 = arith.addi %add3A_330, %add3A_358 : i32
      %dma_start3A_360 = arith.constant 384 : i32
      %dma_start3A_361 = arith.constant 0 : i32
      %dma_start3A_362 = tpu.memref_slice %arg7[%dma_start3A_360, %dma_start3A_361] : memref<1280x32xf32, #tpu.memory_space<vmem>> -> memref<128x32xf32, #tpu.memory_space<vmem>>
      %dma_start3A_363 = tpu.memref_slice %arg5[%add3A_359] : memref<25600xi32, #tpu.memory_space<vmem>> -> memref<128xi32, #tpu.memory_space<vmem>>
      %dma_start3A_364 = arith.constant 0 : i32
      %dma_start3A_365 = arith.constant 0 : i32
      %dma_start3A_366 = tpu.memref_slice %arg3[%dma_start3A_364, %dma_start3A_365] : memref<1000000x32xf32, #tpu.memory_space<hbm>> -> memref<1000000x32xf32, #tpu.memory_space<hbm>>
      tpu.enqueue_indirect_dma source(%dma_start3A_366 : memref<1000000x32xf32, #tpu.memory_space<hbm>>) target(%dma_start3A_362 : memref<128x32xf32, #tpu.memory_space<vmem>>) offsets(%dma_start3A_363 : memref<128xi32, #tpu.memory_space<vmem>>) semaphore(%arg9 : memref<!tpu.dma_semaphore, #tpu.memory_space<semaphore_mem>>)
      %add3A_367 = arith.constant 512 : i32
      %add3A_368 = arith.addi %add3A_330, %add3A_367 : i32
      %dma_start3A_369 = arith.constant 512 : i32
      %dma_start3A_370 = arith.constant 0 : i32
      %dma_start3A_371 = tpu.memref_slice %arg7[%dma_start3A_369, %dma_start3A_370] : memref<1280x32xf32, #tpu.memory_space<vmem>> -> memref<128x32xf32, #tpu.memory_space<vmem>>
      %dma_start3A_372 = tpu.memref_slice %arg5[%add3A_368] : memref<25600xi32, #tpu.memory_space<vmem>> -> memref<128xi32, #tpu.memory_space<vmem>>
      %dma_start3A_373 = arith.constant 0 : i32
      %dma_start3A_374 = arith.constant 0 : i32
      %dma_start3A_375 = tpu.memref_slice %arg3[%dma_start3A_373, %dma_start3A_374] : memref<1000000x32xf32, #tpu.memory_space<hbm>> -> memref<1000000x32xf32, #tpu.memory_space<hbm>>
      tpu.enqueue_indirect_dma source(%dma_start3A_375 : memref<1000000x32xf32, #tpu.memory_space<hbm>>) target(%dma_start3A_371 : memref<128x32xf32, #tpu.memory_space<vmem>>) offsets(%dma_start3A_372 : memref<128xi32, #tpu.memory_space<vmem>>) semaphore(%arg9 : memref<!tpu.dma_semaphore, #tpu.memory_space<semaphore_mem>>)
      %add3A_376 = arith.constant 640 : i32
      %add3A_377 = arith.addi %add3A_330, %add3A_376 : i32
      %dma_start3A_378 = arith.constant 640 : i32
      %dma_start3A_379 = arith.constant 0 : i32
      %dma_start3A_380 = tpu.memref_slice %arg7[%dma_start3A_378, %dma_start3A_379] : memref<1280x32xf32, #tpu.memory_space<vmem>> -> memref<128x32xf32, #tpu.memory_space<vmem>>
      %dma_start3A_381 = tpu.memref_slice %arg5[%add3A_377] : memref<25600xi32, #tpu.memory_space<vmem>> -> memref<128xi32, #tpu.memory_space<vmem>>
      %dma_start3A_382 = arith.constant 0 : i32
      %dma_start3A_383 = arith.constant 0 : i32
      %dma_start3A_384 = tpu.memref_slice %arg3[%dma_start3A_382, %dma_start3A_383] : memref<1000000x32xf32, #tpu.memory_space<hbm>> -> memref<1000000x32xf32, #tpu.memory_space<hbm>>
      tpu.enqueue_indirect_dma source(%dma_start3A_384 : memref<1000000x32xf32, #tpu.memory_space<hbm>>) target(%dma_start3A_380 : memref<128x32xf32, #tpu.memory_space<vmem>>) offsets(%dma_start3A_381 : memref<128xi32, #tpu.memory_space<vmem>>) semaphore(%arg9 : memref<!tpu.dma_semaphore, #tpu.memory_space<semaphore_mem>>)
      %add3A_385 = arith.constant 768 : i32
      %add3A_386 = arith.addi %add3A_330, %add3A_385 : i32
      %dma_start3A_387 = arith.constant 768 : i32
      %dma_start3A_388 = arith.constant 0 : i32
      %dma_start3A_389 = tpu.memref_slice %arg7[%dma_start3A_387, %dma_start3A_388] : memref<1280x32xf32, #tpu.memory_space<vmem>> -> memref<128x32xf32, #tpu.memory_space<vmem>>
      %dma_start3A_390 = tpu.memref_slice %arg5[%add3A_386] : memref<25600xi32, #tpu.memory_space<vmem>> -> memref<128xi32, #tpu.memory_space<vmem>>
      %dma_start3A_391 = arith.constant 0 : i32
      %dma_start3A_392 = arith.constant 0 : i32
      %dma_start3A_393 = tpu.memref_slice %arg3[%dma_start3A_391, %dma_start3A_392] : memref<1000000x32xf32, #tpu.memory_space<hbm>> -> memref<1000000x32xf32, #tpu.memory_space<hbm>>
      tpu.enqueue_indirect_dma source(%dma_start3A_393 : memref<1000000x32xf32, #tpu.memory_space<hbm>>) target(%dma_start3A_389 : memref<128x32xf32, #tpu.memory_space<vmem>>) offsets(%dma_start3A_390 : memref<128xi32, #tpu.memory_space<vmem>>) semaphore(%arg9 : memref<!tpu.dma_semaphore, #tpu.memory_space<semaphore_mem>>)
      %add3A_394 = arith.constant 896 : i32
      %add3A_395 = arith.addi %add3A_330, %add3A_394 : i32
      %dma_start3A_396 = arith.constant 896 : i32
      %dma_start3A_397 = arith.constant 0 : i32
      %dma_start3A_398 = tpu.memref_slice %arg7[%dma_start3A_396, %dma_start3A_397] : memref<1280x32xf32, #tpu.memory_space<vmem>> -> memref<128x32xf32, #tpu.memory_space<vmem>>
      %dma_start3A_399 = tpu.memref_slice %arg5[%add3A_395] : memref<25600xi32, #tpu.memory_space<vmem>> -> memref<128xi32, #tpu.memory_space<vmem>>
      %dma_start3A_400 = arith.constant 0 : i32
      %dma_start3A_401 = arith.constant 0 : i32
      %dma_start3A_402 = tpu.memref_slice %arg3[%dma_start3A_400, %dma_start3A_401] : memref<1000000x32xf32, #tpu.memory_space<hbm>> -> memref<1000000x32xf32, #tpu.memory_space<hbm>>
      tpu.enqueue_indirect_dma source(%dma_start3A_402 : memref<1000000x32xf32, #tpu.memory_space<hbm>>) target(%dma_start3A_398 : memref<128x32xf32, #tpu.memory_space<vmem>>) offsets(%dma_start3A_399 : memref<128xi32, #tpu.memory_space<vmem>>) semaphore(%arg9 : memref<!tpu.dma_semaphore, #tpu.memory_space<semaphore_mem>>)
      %add3A_403 = arith.constant 1024 : i32
      %add3A_404 = arith.addi %add3A_330, %add3A_403 : i32
      %dma_start3A_405 = arith.constant 1024 : i32
      %dma_start3A_406 = arith.constant 0 : i32
      %dma_start3A_407 = tpu.memref_slice %arg7[%dma_start3A_405, %dma_start3A_406] : memref<1280x32xf32, #tpu.memory_space<vmem>> -> memref<128x32xf32, #tpu.memory_space<vmem>>
      %dma_start3A_408 = tpu.memref_slice %arg5[%add3A_404] : memref<25600xi32, #tpu.memory_space<vmem>> -> memref<128xi32, #tpu.memory_space<vmem>>
      %dma_start3A_409 = arith.constant 0 : i32
      %dma_start3A_410 = arith.constant 0 : i32
      %dma_start3A_411 = tpu.memref_slice %arg3[%dma_start3A_409, %dma_start3A_410] : memref<1000000x32xf32, #tpu.memory_space<hbm>> -> memref<1000000x32xf32, #tpu.memory_space<hbm>>
      tpu.enqueue_indirect_dma source(%dma_start3A_411 : memref<1000000x32xf32, #tpu.memory_space<hbm>>) target(%dma_start3A_407 : memref<128x32xf32, #tpu.memory_space<vmem>>) offsets(%dma_start3A_408 : memref<128xi32, #tpu.memory_space<vmem>>) semaphore(%arg9 : memref<!tpu.dma_semaphore, #tpu.memory_space<semaphore_mem>>)
      %add3A_412 = arith.constant 1152 : i32
      %add3A_413 = arith.addi %add3A_330, %add3A_412 : i32
      %dma_start3A_414 = arith.constant 1152 : i32
      %dma_start3A_415 = arith.constant 0 : i32
      %dma_start3A_416 = tpu.memref_slice %arg7[%dma_start3A_414, %dma_start3A_415] : memref<1280x32xf32, #tpu.memory_space<vmem>> -> memref<128x32xf32, #tpu.memory_space<vmem>>
      %dma_start3A_417 = tpu.memref_slice %arg5[%add3A_413] : memref<25600xi32, #tpu.memory_space<vmem>> -> memref<128xi32, #tpu.memory_space<vmem>>
      %dma_start3A_418 = arith.constant 0 : i32
      %dma_start3A_419 = arith.constant 0 : i32
      %dma_start3A_420 = tpu.memref_slice %arg3[%dma_start3A_418, %dma_start3A_419] : memref<1000000x32xf32, #tpu.memory_space<hbm>> -> memref<1000000x32xf32, #tpu.memory_space<hbm>>
      tpu.enqueue_indirect_dma source(%dma_start3A_420 : memref<1000000x32xf32, #tpu.memory_space<hbm>>) target(%dma_start3A_416 : memref<128x32xf32, #tpu.memory_space<vmem>>) offsets(%dma_start3A_417 : memref<128xi32, #tpu.memory_space<vmem>>) semaphore(%arg9 : memref<!tpu.dma_semaphore, #tpu.memory_space<semaphore_mem>>)
    }
    %scan3A_166 = arith.constant 9 : i32
    %dma_wait3A = arith.constant 0 : i32
    %dma_wait3A_167 = arith.constant 0 : i32
    %dma_wait3A_168 = tpu.memref_slice %arg3[%dma_wait3A, %dma_wait3A_167] : memref<1000000x32xf32, #tpu.memory_space<hbm>> -> memref<1280x32xf32, #tpu.memory_space<hbm>>
    %dma_wait3A_169 = arith.constant 0 : i32
    %dma_wait3A_170 = arith.constant 0 : i32
    %dma_wait3A_171 = tpu.memref_slice %arg3[%dma_wait3A_169, %dma_wait3A_170] : memref<1000000x32xf32, #tpu.memory_space<hbm>> -> memref<1280x32xf32, #tpu.memory_space<hbm>>
    tpu.wait_dma2 semaphore(%arg8 : memref<!tpu.dma_semaphore, #tpu.memory_space<semaphore_mem>>) src(%dma_wait3A_171 : memref<1280x32xf32, #tpu.memory_space<hbm>>) dst(%arg6 : memref<1280x32xf32, #tpu.memory_space<vmem>>)
    %add3A_172 = arith.constant 23040 : i32
    %add3A_173 = arith.addi %mul3A_2, %add3A_172 : i32
    %dma_start3A_174 = arith.constant 0 : i32
    %dma_start3A_175 = tpu.memref_slice %arg4[%add3A_173, %dma_start3A_174] : memref<819200x32xf32, #tpu.memory_space<hbm>> -> memref<1280x32xf32, #tpu.memory_space<hbm>>
    %dma_start3A_176 = arith.constant 0 : i32
    %dma_start3A_177 = tpu.memref_slice %arg4[%add3A_173, %dma_start3A_176] : memref<819200x32xf32, #tpu.memory_space<hbm>> -> memref<1280x32xf32, #tpu.memory_space<hbm>>
    tpu.enqueue_dma source(%arg6 : memref<1280x32xf32, #tpu.memory_space<vmem>>) target(%dma_start3A_177 : memref<1280x32xf32, #tpu.memory_space<hbm>>) target_semaphore(%arg10 : memref<!tpu.dma_semaphore, #tpu.memory_space<semaphore_mem>>)
    %dma_wait3A_178 = arith.constant 0 : i32
    %dma_wait3A_179 = arith.constant 0 : i32
    %dma_wait3A_180 = tpu.memref_slice %arg3[%dma_wait3A_178, %dma_wait3A_179] : memref<1000000x32xf32, #tpu.memory_space<hbm>> -> memref<1280x32xf32, #tpu.memory_space<hbm>>
    %dma_wait3A_181 = arith.constant 0 : i32
    %dma_wait3A_182 = arith.constant 0 : i32
    %dma_wait3A_183 = tpu.memref_slice %arg3[%dma_wait3A_181, %dma_wait3A_182] : memref<1000000x32xf32, #tpu.memory_space<hbm>> -> memref<1280x32xf32, #tpu.memory_space<hbm>>
    tpu.wait_dma2 semaphore(%arg9 : memref<!tpu.dma_semaphore, #tpu.memory_space<semaphore_mem>>) src(%dma_wait3A_183 : memref<1280x32xf32, #tpu.memory_space<hbm>>) dst(%arg7 : memref<1280x32xf32, #tpu.memory_space<vmem>>)
    %add3A_184 = arith.constant 23040 : i32
    %add3A_185 = arith.addi %mul3A_2, %add3A_184 : i32
    %add3A_186 = arith.constant 1280 : i32
    %add3A_187 = arith.addi %add3A_185, %add3A_186 : i32
    %dma_start3A_188 = arith.constant 0 : i32
    %dma_start3A_189 = tpu.memref_slice %arg4[%add3A_187, %dma_start3A_188] : memref<819200x32xf32, #tpu.memory_space<hbm>> -> memref<1280x32xf32, #tpu.memory_space<hbm>>
    %dma_start3A_190 = arith.constant 0 : i32
    %dma_start3A_191 = tpu.memref_slice %arg4[%add3A_187, %dma_start3A_190] : memref<819200x32xf32, #tpu.memory_space<hbm>> -> memref<1280x32xf32, #tpu.memory_space<hbm>>
    tpu.enqueue_dma source(%arg7 : memref<1280x32xf32, #tpu.memory_space<vmem>>) target(%dma_start3A_191 : memref<1280x32xf32, #tpu.memory_space<hbm>>) target_semaphore(%arg11 : memref<!tpu.dma_semaphore, #tpu.memory_space<semaphore_mem>>)
    %dma_wait3A_192 = arith.constant 0 : i32
    %dma_wait3A_193 = tpu.memref_slice %arg4[%mul3A_2, %dma_wait3A_192] : memref<819200x32xf32, #tpu.memory_space<hbm>> -> memref<1280x32xf32, #tpu.memory_space<hbm>>
    %dma_wait3A_194 = arith.constant 0 : i32
    %dma_wait3A_195 = tpu.memref_slice %arg4[%mul3A_2, %dma_wait3A_194] : memref<819200x32xf32, #tpu.memory_space<hbm>> -> memref<1280x32xf32, #tpu.memory_space<hbm>>
    tpu.wait_dma2 semaphore(%arg10 : memref<!tpu.dma_semaphore, #tpu.memory_space<semaphore_mem>>) src(%arg6 : memref<1280x32xf32, #tpu.memory_space<vmem>>) dst(%dma_wait3A_195 : memref<1280x32xf32, #tpu.memory_space<hbm>>)
    %dma_wait3A_196 = arith.constant 0 : i32
    %dma_wait3A_197 = tpu.memref_slice %arg4[%mul3A_2, %dma_wait3A_196] : memref<819200x32xf32, #tpu.memory_space<hbm>> -> memref<1280x32xf32, #tpu.memory_space<hbm>>
    %dma_wait3A_198 = arith.constant 0 : i32
    %dma_wait3A_199 = tpu.memref_slice %arg4[%mul3A_2, %dma_wait3A_198] : memref<819200x32xf32, #tpu.memory_space<hbm>> -> memref<1280x32xf32, #tpu.memory_space<hbm>>
    tpu.wait_dma2 semaphore(%arg11 : memref<!tpu.dma_semaphore, #tpu.memory_space<semaphore_mem>>) src(%arg7 : memref<1280x32xf32, #tpu.memory_space<vmem>>) dst(%dma_wait3A_199 : memref<1280x32xf32, #tpu.memory_space<hbm>>)
    return
  }
}

</mosaic_0001>

<sc_bundles>
// kernel: kernel.3.cloned.1.call-start
scs
__scs_entry_jumppad:
0x0: {  	(pc) =	sbr.rel $0x88, $3  }
0x1: {  	(tag) =	ssettag $0x0;
	lr =	simm.s32 $0x1  }
0x2: {  	[smem:$0x3F9F] =	sst lr;
	_ =	strace $0xD0000000  }
0x3: {  	_ = 	snop  }
0x4: {  	_ = 	snop  }
0x5: {  	_ = 	snop  }
0x6: {  	_ = 	snop  }
0x7: {  	_ = 	snop  }
__scs_overlays_trampoline_lowered:
0x8: {  	[smem:$0x3FAE] =	sst s0  }
0x9: {  	[smem:$0x3FAF] =	sst s1  }
0xa: {  	[smem:$0x3FB0] =	sst s2  }
0xb: {  	[smem:$0x3FB1] =	sst s3  }
0xc: {  	[smem:$0x3FB2] =	sst s4  }
0xd: {  	[smem:$0x3FB3] =	sst s5  }
0xe: {  	[smem:$0x3FB4] =	sst s6  }
0xf: {  	[smem:$0x3FB5] =	sst s7  }
0x10: {  	[smem:$0x3FB6] =	sst s8  }
0x11: {  	[smem:$0x3FB7] =	sst s9;
	s0 =	simm.s32 @!p0 $0x0  }
0x12: {  	s1 =	sld [smem:$0x3F9D];
	s0 =	simm.s32 @p0 $0x1  }
0x13: {  	[smem:$0x3FB8] =	sst s0;
	s0 =	simm.s32 @!p1 $0x0  }
0x14: {  	s2 =	sld [smem:$0x3F9C];
	s0 =	simm.s32 @p1 $0x1  }
0x15: {  	[smem:$0x3FB9] =	sst s0;
	s0 =	simm.s32 @!p2 $0x0  }
0x16: {  	s3 =	sld [smem:$0x3FDB];
	s0 =	simm.s32 @p2 $0x1  }
0x17: {  	s4 =	simm.s32 $0x1BF5;
	[smem:$0x3FBB] =	sst s0  }
0x18: {  	s0 =	sld [smem:$0x3F9E];
	_ =	swait.ge [sflag:s4], $0x0  }
0x19: {  	s7 =	sld [smem:$0x3F9F]  }
0x1a: {  	s8 =	sadd.s32 $0xFFFFE003, lr  }
0x1b: {  	s9 =	sadd.s32 $0xFFFFFEF7, lr;
	s5 =	simm.s32 $0xFFFFFFFF;
	p2 =	slt.u32 s8, $0xFFFFF086  }
0x1c: {  	p1 =	slt.u32 s9, $0xF7A;
	s5 =	simm.s32 @!p2 $0x0  }
0x1d: {  	s5 =	simm.s32 @p1 $0x1;
	p0 =	seq.s32 s7, s2  }
0x1e: {  	s7 =	smul.u32 @!p0 $0xF7A, s2;
	p2 =	seq.s32 @!p0 s5, $0x0  }
0x1f: {  	s9 =	smul.u32 $0xF7A, s1;
	s8 =	simm.s32 @!p0 $0x1BF5;
	p2 =	por !p2, p0  }
0x20: {  	[sflag:s8] =	ssyncset.s32 @!p0 $0xFFFFF086;
	s6 =	sadd.s32 @!p0 s3, s7;
	s7 =	simm.s32 @!p0 $0x108  }
0x21: {  	s3 =	sadd.s32 s3, s9;
	s6 =	sadd.s32 @!p0 $0x88, s6;
	s7 =	simm.s32 @p2 $0x1082  }
0x22: {  	[simem:s7], [sflag:s8] =	dma.local @!p0 [hbm:s6], $0xF7A  }
0x23: {  	s9 =	sor.u32 $0xD0000000, s2;
	s6 =	simm.s32 $0x108;
	_ =	swait.ge @!p0 [sflag:s8], $0x0  }
0x24: {  	s3 =	sadd.s32 $0x88, s3;
	s6 =	simm.s32 @!p1 $0x1082;
	[sflag:s4] =	ssyncset.s32 $0xFFFFF086  }
0x25: {  	[simem:s6], [sflag:s4] =	dma.local [hbm:s3], $0xF7A  }
0x26: {  	[smem:$0x3F9F] =	sst s1;
	(tag) =	ssettag s2;
	_ =	strace s9  }
0x27: {  	s1 =	sld [smem:$0x3FAF]  }
0x28: {  	s2 =	sld [smem:$0x3FB0]  }
0x29: {  	s4 =	sld [smem:$0x3FB2]  }
0x2a: {  	p0 =	seq.s32 s5, $0x0;
	s5 =	sld [smem:$0x3FB3]  }
0x2b: {  	s6 =	sld [smem:$0x3FB4]  }
0x2c: {  	s7 =	sld [smem:$0x3FB5]  }
0x2d: {  	s3 =	simm.s32 $0x108;
	s8 =	sld [smem:$0x3FB6]  }
0x2e: {  	s3 =	simm.s32 @!p0 $0x1082;
	s9 =	sld [smem:$0x3FB7]  }
0x2f: {  	lr =	sadd.s32 s0, s3;
	s0 =	sld [smem:$0x3FAE]  }
0x30: {  	s3 =	sld [smem:$0x3FB1]  }
0x31: {  	[smem:$0x3FBA] =	sst s10  }
0x32: {  	s10 =	sld [smem:$0x3FB8];
	_ =	sdelay $0x3  }
0x33: {  	p0 =	seq.s32 s10, $0x1;
	s10 =	sld [smem:$0x3FBA];
	_ =	sdelay $0x3  }
0x34: {  	[smem:$0x3FBA] =	sst s10  }
0x35: {  	s10 =	sld [smem:$0x3FB9];
	_ =	sdelay $0x3  }
0x36: {  	p1 =	seq.s32 s10, $0x1;
	s10 =	sld [smem:$0x3FBA];
	_ =	sdelay $0x3  }
0x37: {  	[smem:$0x3FBA] =	sst s10  }
0x38: {  	s10 =	sld [smem:$0x3FBB]  }
0x39: {  	_ = 	snop;
	(pc) =	sbr.ind lr, $3  }
0x3a: {  	_ = 	snop  }
0x3b: {  	_ = 	snop  }
0x3c: {  	p2 =	seq.s32 s10, $0x1;
	s10 =	sld [smem:$0x3FBA]  }
0x3d: {  	_ =	shalt  }
0x3e: {  	_ =	shalt  }
0x3f: {  	_ =	shalt  }
0x40: {  	_ =	shalt  }
0x41: {  	_ =	shalt  }
0x42: {  	_ =	shalt  }
0x43: {  	_ =	shalt  }
0x44: {  	_ =	shalt  }
0x45: {  	_ =	shalt  }
0x46: {  	_ =	shalt  }
0x47: {  	_ =	shalt  }
0x48: {  	_ =	shalt  }
0x49: {  	_ =	shalt  }
0x4a: {  	_ =	shalt  }
0x4b: {  	_ =	shalt  }
0x4c: {  	_ =	shalt  }
0x4d: {  	_ =	shalt  }
0x4e: {  	_ =	shalt  }
0x4f: {  	_ =	shalt  }
0x50: {  	_ =	shalt  }
0x51: {  	_ =	shalt  }
0x52: {  	_ =	shalt  }
0x53: {  	_ =	shalt  }
0x54: {  	_ =	shalt  }
0x55: {  	_ =	shalt  }
0x56: {  	_ =	shalt  }
0x57: {  	_ =	shalt  }
0x58: {  	_ =	shalt  }
0x59: {  	_ =	shalt  }
0x5a: {  	_ =	shalt  }
0x5b: {  	_ =	shalt  }
0x5c: {  	_ =	shalt  }
0x5d: {  	_ =	shalt  }
0x5e: {  	_ =	shalt  }
0x5f: {  	_ =	shalt  }
0x60: {  	_ =	shalt  }
0x61: {  	_ =	shalt  }
0x62: {  	_ =	shalt  }
0x63: {  	_ =	shalt  }
0x64: {  	_ =	shalt  }
0x65: {  	_ =	shalt  }
0x66: {  	_ =	shalt  }
0x67: {  	_ =	shalt  }
0x68: {  	_ =	shalt  }
0x69: {  	_ =	shalt  }
0x6a: {  	_ =	shalt  }
0x6b: {  	_ =	shalt  }
0x6c: {  	_ =	shalt  }
0x6d: {  	_ =	shalt  }
0x6e: {  	_ =	shalt  }
0x6f: {  	_ =	shalt  }
0x70: {  	_ =	shalt  }
0x71: {  	_ =	shalt  }
0x72: {  	_ =	shalt  }
0x73: {  	_ =	shalt  }
0x74: {  	_ =	shalt  }
0x75: {  	_ =	shalt  }
0x76: {  	_ =	shalt  }
0x77: {  	_ =	shalt  }
0x78: {  	_ =	shalt  }
0x79: {  	_ =	shalt  }
0x7a: {  	_ =	shalt  }
0x7b: {  	_ =	shalt  }
0x7c: {  	_ =	shalt  }
0x7d: {  	_ =	shalt  }
0x7e: {  	_ =	shalt  }
0x7f: {  	_ =	shalt  }
0x80: {  	_ =	shalt  }
0x81: {  	_ =	shalt  }
0x82: {  	_ =	shalt  }
0x83: {  	_ =	shalt  }
0x84: {  	_ =	shalt  }
0x85: {  	_ =	shalt  }
0x86: {  	_ =	shalt  }
0x87: {  	_ =	shalt  }
.Lfunc_end0:
.L_simem_size_0:
called_computation.2_lowered:
.L_overlay_start_0:
0x88: {  	s2 =	sld [smem:$0x3FD9]  }
0x89: {  	s3 =	sld [smem:$0x3FFE];
	_ =	sdelay $0x1  }
0x8a: {  	s1 =	srdreg.scid  }
0x8b: {  	s0 =	sand.u32 $0x1, s1  }
0x8c: {  	s17 =	sshll.u32 s0, $0xA;
	s2 =	sadd.s32 s3, s2  }
0x8d: {  	s2 =	sadd.s32 s2, s17  }
0x8e: {  	[smem:$0x3FC6] =	sst s2  }
0x8f: {  	_ = 	snop  }
0x90: {  	s2 =	sld [smem:$0x3FD0];
	(tm) =	ssettm $0x1  }
0x91: {  	s18 =	sld [smem:$0x3FFB];
	_ =	sdelay $0x3  }
0x92: {  	_ =	strace s18  }
0x93: {  	s3 =	sld [smem:$0x3FFC];
	_ =	sdelay $0x3  }
0x94: {  	_ =	strace s3  }
0x95: {  	s3 =	sld [smem:$0x3FFD];
	_ =	sdelay $0x3  }
0x96: {  	_ =	strace s3  }
0x97: {  	_ =	strace $0x8FFFFFFF  }
0x98: {  	s19 =	sld [smem:$0x3FDB];
	_ =	sdelay $0x1  }
0x99: {  	s4 =	simm.s32 $_scs_section_size  }
0x9a: {  	s5 =	simm.s32 $_size__tile_overlayer_lowered;
	s6 =	simm.s32 $_tile_overlayer_lowered  }
0x9b: {  	s22 =	simm.s32 $0x1BFF;
	s21 =	sshll.u32 s6, $0x1;
	s3 =	sadd.s32 s4, s19  }
0x9c: {  	s7 =	simm.s32 $0x0;
	s20 =	sshll.u32 s5, $0x1;
	s5 =	sadd.s32 s21, s3  }
0x9d: {  	[timem:s7], [sflag:s22] =	dma.local [hbm:s5], s20  }
0x9e: {  	_ =	swait.ge [sflag:s22], s20  }
0x9f: {  	s4 =	ssub.s32 $0x0, s20;
	[sflag:s22] =	ssyncset.done $0x0  }
0xa0: {  	[sflag:s22] =	ssyncadd.s32 s4;
	_ =	sdelay $0x1  }
0xa1: {  	s23 =	simm.s32 $0x1B8B  }
0xa2: {  	_ =	swait.ge [sflag:s23], $0x1  }
0xa3: {  	[sflag:s23] =	ssyncset.done $0x0  }
0xa4: {  	s25 =	simm.s32 $0x1B8E;
	s24 =	sld [smem:$0x3FFE];
	[sflag:s23] =	ssyncadd.s32 $0xFFFFFFFF  }
0xa5: {  	s26 =	simm.s32 $execute0_lowered;
	[smem:$0x3FD2] =	sst s25  }
0xa6: {  	s5 =	sshll.u32 s26, $0x1;
	_ =	strace $0x80000046;
	[dreg:$0x1] =	wrdreg $0xFFFFFFFF  }
0xa7: {  	s28 =	simm.s32 $_size_execute0_lowered;
	s3 =	sadd.s32 s3, s5;
	[dreg:$0x0] =	wrdreg $0x0  }
0xa8: {  	s5 =	sshll.u32 s28, $0x1;
	[dreg:$0x2] =	wrdreg s3  }
0xa9: {  	[dreg:$0x3] =	wrdreg s5  }
0xaa: {  	[dreg:$0x4] =	wrdreg $0xC0  }
0xab: {  	_ =	task [dreg:s7], $0x5FFFF  }
0xac: {  	[dreg:$0x1] =	wrdreg $0xFFFFFFFF  }
0xad: {  	[dreg:$0x0] =	wrdreg $0x60  }
0xae: {  	[dreg:$0x2] =	wrdreg s24  }
0xaf: {  	[dreg:$0x3] =	wrdreg s2  }
0xb0: {  	[dreg:$0x4] =	wrdreg $0x9  }
0xb1: {  	_ =	task.clear_ibuf [dreg:s7], $0x5FFFF;
	_ =	strace $0x90000046  }
0xb2: {  	s29 =	simm.s32 $0x9;
	_ =	strace $0x80000048  }
0xb3: {  	_ =	swait.ge [sflag:s29], $0x1  }
0xb4: {  	[sflag:s29] =	ssyncadd.s32 $0xFFFFFFFF  }
0xb5: {  	_ =	strace $0x90000048  }
0xb6: {  	_ =	sfence  }
0xb7: {  	s30 =	sld [smem:$0x0];
	_ =	sdelay $0x2  }
0xb8: {  	s31 =	sshll.u32 s1, $0xD;
	s1 =	sshrl.u32 s1, $0x2  }
0xb9: {  	s3 =	sand.u32 $0x4000, s31;
	s1 =	sadd.s32 s1, s30  }
0xba: {  	s0 =	sor.u32 s3, s0;
	s1 =	sshll.u32 s1, $0x11  }
0xbb: {  	s0 =	sor.u32 s1, s0  }
0xbc: {  	s0 =	sadd.s32 $0x8F2B, s0  }
0xbd: {  	[sflag:s0] =	ssyncadd.remote.s32 $0x1  }
0xbe: {  	_ =	sfence.sel $0xFFFF  }
0xbf: {  	[dreg:$0x0] =	wrdreg $0xFFFFFFFF;
	(pc) =	sbr.abs _section_cstart, $3  }
0xc0: {  	[dreg:$0x1] =	wrdreg $0xFFFFFFFF  }
0xc1: {  	_ =	task.clear_ibuf [dreg:s7], $0x2FFFF;
	_ =	strace $0x9FFFFFFF  }
0xc2: {  	(tm) =	ssettm $0x7FFFFFFF  }
0xc3: {  	_ =	shalt  }
tec
execute0_lowered:
.L_overlay_start_1:
0x0: {  	(tag) =	ssettag $0x1  }
0x1: {  	s0 =	rddreg [dreg:$0x0]  }
0x2: {  	s1 =	srdreg.scid;
	s10 =	stileid.u32  }
0x3: {  	s4 =	rddreg [dreg:$0x1];
	s2 =	simm.s32 $0x0;
	s11 =	simm.s32 $0x7400  }
0x4: {  	s13 =	simm.s32 $0x8400;
	s15 =	simm.s32 $0x9400;
	s17 =	simm.s32 $0xA400  }
0x5: {  	s19 =	simm.s32 $0xB400;
	s21 =	simm.s32 $0xC400;
	s28 =	simm.s32 $0xF400  }
0x6: {  	s30 =	simm.s32 $0x10400;
	s12 =	simm.s32 $0x12400;
	s16 =	simm.s32 $0x13400  }
0x7: {  	s20 =	simm.s32 $0x14400;
	s29 =	simm.s32 $0x16400;
	s6 =	smul.u32 $0xC800, s10  }
0x8: {  	s18 =	simm.s32 $0x18400;
	s1 =	sand.u32 $0x1, s1;
	s24 =	smul.u32 $0x32000, s10  }
0x9: {  	s31 =	simm.s32 $0x1;
	s3 =	sshll.u32 s10, $0x1;
	s8 =	smul.u32 $0x6400, s1  }
0xa: {  	s5 =	sor.u32 s1, s3;
	s7 =	ssub.s32 $0x2, s1;
	s1 =	smul.u32 $0x19000, s1  }
0xb: {  	s14 =	simm.s32 $0x2;
	[smem:$0x7FF] =	sst s2;
	s3 =	smul.u32 $0x6400, s5  }
0xc: {  	s10 =	simm.s32 $0x6400;
	_ =	strace $0x80000047;
	s5 =	smul.u32 $0xC8000, s5  }
0xd: {  	s22 =	sshrl.u32 s7, $0x1;
	s6 =	sadd.s32 s8, s6;
	s3 =	sshrl.u32 s3, $0x3  }
0xe: {  	s6 =	sshll.u32 s6, $0x2;
	s5 =	sshrl.u32 s5, $0x3;
	s9 =	sadd.s32 s3, s0  }
0xf: {  	s3 =	sadd.s32 $0xF43200, s0;
	s0 =	ssub.s32 s7, s22;
	s6 =	sadd.s32 s4, s6  }
0x10: {  	s5 =	sadd.s32 s4, s5;
	s4 =	sadd.s32 s24, s4;
	s23 =	sadd.s32 $0xE00, s9  }
0x11: {  	s24 =	simm.s32 $0x15400;
	s25 =	sadd.s32 $0x16800, s5;
	[dreg:$0x5] =	wrdreg s23  }
0x12: {  	s22 =	simm.s32 $0x3;
	s6 =	sadd.s32 $0x1400, s6;
	[dreg:$0x6] =	wrdreg s25  }
0x13: {  	s1 =	sadd.s32 s1, s4;
	s26 =	sadd.s32 $0x17C00, s5;
	[dreg:$0x3] =	wrdreg s6  }
0x14: {  	s0 =	smax.u32 s0, $0x1;
	s9 =	simm.s32 $0x80;
	[dreg:$0x7] =	wrdreg s26  }
0x15: {  	s4 =	simm.s32 $0x4;
	s5 =	simm.s32 $0x0;
	[dreg:$0x8] =	wrdreg s0  }
0x16: {  	[dreg:$0x4] =	wrdreg s1;
	s23 =	simm.s32 $0xD400;
	s25 =	simm.s32 $0xE400  }
0x17: {  	s1 =	simm.s32 $0x11400;
	s0 =	simm.s32 $0x17400;
	s26 =	simm.s32 $0x19400  }
.LBB2_1:
0x18: {  	s6 =	rddreg [dreg:$0x5];
	s7 =	simm.s32 $0x5  }
0x19: {  	[tilespmem:s2], [sflag:$0x5] =	stream.linear.gather [hbm4b:s6+s2], $0x6400, $0x38;
	[tilespmem:$0x1A400] =	vst v63  }
0x1a: {  	_ =	swait.ge [sflag:s7], $0x6400  }
0x1b: {  	[sflag:s7] =	ssyncset.done $0x0  }
0x1c: {  	[sflag:s7] =	ssyncadd.s32 $0xFFFF9C00  }
0x1d: {  	[tilespmem:s10], [sflag:$0x1] =	stream.indirect.gather [hbm4b:s3+s9], $0x20, s2, s9, $0xb8;
	[tilespmem:$0x1A400] =	vst v63  }
0x1e: {  	_ = 	snop  }
0x1f: {  	[tilespmem:s11], [sflag:$0x1] =	stream.indirect.gather [hbm4b:s3+s9], $0x20, s9, s9, $0xb8;
	[tilespmem:$0x1A400] =	vst v63  }
0x20: {  	s8 =	simm.s32 $0x100  }
0x21: {  	[tilespmem:s13], [sflag:$0x1] =	stream.indirect.gather [hbm4b:s3+s9], $0x20, s8, s9, $0xb8;
	[tilespmem:$0x1A400] =	vst v63  }
0x22: {  	s7 =	simm.s32 $0x180  }
0x23: {  	[tilespmem:s15], [sflag:$0x1] =	stream.indirect.gather [hbm4b:s3+s9], $0x20, s7, s9, $0xb8;
	[tilespmem:$0x1A400] =	vst v63  }
0x24: {  	s8 =	simm.s32 $0x200  }
0x25: {  	[tilespmem:s17], [sflag:$0x1] =	stream.indirect.gather [hbm4b:s3+s9], $0x20, s8, s9, $0xb8;
	[tilespmem:$0x1A400] =	vst v63  }
0x26: {  	s7 =	simm.s32 $0x280  }
0x27: {  	[tilespmem:s19], [sflag:$0x1] =	stream.indirect.gather [hbm4b:s3+s9], $0x20, s7, s9, $0xb8;
	[tilespmem:$0x1A400] =	vst v63  }
0x28: {  	s8 =	simm.s32 $0x300  }
0x29: {  	[tilespmem:s21], [sflag:$0x1] =	stream.indirect.gather [hbm4b:s3+s9], $0x20, s8, s9, $0xb8;
	[tilespmem:$0x1A400] =	vst v63  }
0x2a: {  	s7 =	simm.s32 $0x380  }
0x2b: {  	[tilespmem:s23], [sflag:$0x1] =	stream.indirect.gather [hbm4b:s3+s9], $0x20, s7, s9, $0xb8;
	[tilespmem:$0x1A400] =	vst v63  }
0x2c: {  	s8 =	simm.s32 $0x400  }
0x2d: {  	[tilespmem:s25], [sflag:$0x1] =	stream.indirect.gather [hbm4b:s3+s9], $0x20, s8, s9, $0xb8;
	[tilespmem:$0x1A400] =	vst v63  }
0x2e: {  	s7 =	simm.s32 $0x480  }
0x2f: {  	[tilespmem:s28], [sflag:$0x1] =	stream.indirect.gather [hbm4b:s3+s9], $0x20, s7, s9, $0xb8;
	[tilespmem:$0x1A400] =	vst v63  }
0x30: {  	s8 =	simm.s32 $0x500  }
0x31: {  	[tilespmem:s30], [sflag:$0x2] =	stream.indirect.gather [hbm4b:s3+s9], $0x20, s8, s9, $0xb8;
	[tilespmem:$0x1A400] =	vst v63  }
0x32: {  	s7 =	simm.s32 $0x580  }
0x33: {  	[tilespmem:s1], [sflag:$0x2] =	stream.indirect.gather [hbm4b:s3+s9], $0x20, s7, s9, $0xb8;
	[tilespmem:$0x1A400] =	vst v63  }
0x34: {  	s8 =	simm.s32 $0x600  }
0x35: {  	[tilespmem:s12], [sflag:$0x2] =	stream.indirect.gather [hbm4b:s3+s9], $0x20, s8, s9, $0xb8;
	[tilespmem:$0x1A400] =	vst v63  }
0x36: {  	s7 =	simm.s32 $0x680  }
0x37: {  	[tilespmem:s16], [sflag:$0x2] =	stream.indirect.gather [hbm4b:s3+s9], $0x20, s7, s9, $0xb8;
	[tilespmem:$0x1A400] =	vst v63  }
0x38: {  	s8 =	simm.s32 $0x700  }
0x39: {  	[tilespmem:s20], [sflag:$0x2] =	stream.indirect.gather [hbm4b:s3+s9], $0x20, s8, s9, $0xb8;
	[tilespmem:$0x1A400] =	vst v63  }
0x3a: {  	s7 =	simm.s32 $0x780  }
0x3b: {  	[tilespmem:s24], [sflag:$0x2] =	stream.indirect.gather [hbm4b:s3+s9], $0x20, s7, s9, $0xb8;
	[tilespmem:$0x1A400] =	vst v63  }
0x3c: {  	s8 =	simm.s32 $0x800  }
0x3d: {  	[tilespmem:s29], [sflag:$0x2] =	stream.indirect.gather [hbm4b:s3+s9], $0x20, s8, s9, $0xb8;
	[tilespmem:$0x1A400] =	vst v63  }
0x3e: {  	s7 =	simm.s32 $0x880  }
0x3f: {  	[tilespmem:s0], [sflag:$0x2] =	stream.indirect.gather [hbm4b:s3+s9], $0x20, s7, s9, $0xb8;
	[tilespmem:$0x1A400] =	vst v63  }
0x40: {  	s8 =	simm.s32 $0x900  }
0x41: {  	[tilespmem:s18], [sflag:$0x2] =	stream.indirect.gather [hbm4b:s3+s9], $0x20, s8, s9, $0xb8;
	[tilespmem:$0x1A400] =	vst v63  }
0x42: {  	s7 =	simm.s32 $0x980  }
0x43: {  	[tilespmem:s26], [sflag:$0x2] =	stream.indirect.gather [hbm4b:s3+s9], $0x20, s7, s9, $0xb8;
	[tilespmem:$0x1A400] =	vst v63  }
0x44: {  	_ =	swait.ge [sflag:s31], $0xA000  }
0x45: {  	s8 =	rddreg [dreg:$0x4];
	[sflag:s31] =	ssyncset.done $0x0  }
0x46: {  	[sflag:s31] =	ssyncadd.s32 $0xFFFF6000;
	s6 =	sadd.s32 $0x0, s8  }
0x47: {  	[hbm4b:s6+s2] =	stream.linear.scatter [tilespmem:s10], [sflag:$0x3], $0xA000, $0x38;
	[tilespmem:$0x1A400] =	vst v63  }
0x48: {  	_ =	swait.ge [sflag:s14], $0xA000  }
0x49: {  	s7 =	rddreg [dreg:$0x3];
	[sflag:s14] =	ssyncset.done $0x0  }
0x4a: {  	[sflag:s14] =	ssyncadd.s32 $0xFFFF6000;
	s6 =	sadd.s32 $0x0, s7  }
0x4b: {  	[hbm4b:s6+s2] =	stream.linear.scatter [tilespmem:s30], [sflag:$0x4], $0xA000, $0x38;
	[tilespmem:$0x1A400] =	vst v63  }
0x4c: {  	_ =	swait.ge [sflag:s22], $0xA000  }
0x4d: {  	[sflag:s22] =	ssyncset.done $0x0  }
0x4e: {  	s8 =	simm.s32 $0xA00;
	[sflag:s22] =	ssyncadd.s32 $0xFFFF6000  }
0x4f: {  	[tilespmem:s10], [sflag:$0x1] =	stream.indirect.gather [hbm4b:s3+s9], $0x20, s8, s9, $0xb8;
	[tilespmem:$0x1A400] =	vst v63  }
0x50: {  	s7 =	simm.s32 $0xA80  }
0x51: {  	[tilespmem:s11], [sflag:$0x1] =	stream.indirect.gather [hbm4b:s3+s9], $0x20, s7, s9, $0xb8;
	[tilespmem:$0x1A400] =	vst v63  }
0x52: {  	s8 =	simm.s32 $0xB00  }
0x53: {  	[tilespmem:s13], [sflag:$0x1] =	stream.indirect.gather [hbm4b:s3+s9], $0x20, s8, s9, $0xb8;
	[tilespmem:$0x1A400] =	vst v63  }
0x54: {  	s7 =	simm.s32 $0xB80  }
0x55: {  	[tilespmem:s15], [sflag:$0x1] =	stream.indirect.gather [hbm4b:s3+s9], $0x20, s7, s9, $0xb8;
	[tilespmem:$0x1A400] =	vst v63  }
0x56: {  	s8 =	simm.s32 $0xC00  }
0x57: {  	[tilespmem:s17], [sflag:$0x1] =	stream.indirect.gather [hbm4b:s3+s9], $0x20, s8, s9, $0xb8;
	[tilespmem:$0x1A400] =	vst v63  }
0x58: {  	s7 =	simm.s32 $0xC80  }
0x59: {  	[tilespmem:s19], [sflag:$0x1] =	stream.indirect.gather [hbm4b:s3+s9], $0x20, s7, s9, $0xb8;
	[tilespmem:$0x1A400] =	vst v63  }
0x5a: {  	s8 =	simm.s32 $0xD00  }
0x5b: {  	[tilespmem:s21], [sflag:$0x1] =	stream.indirect.gather [hbm4b:s3+s9], $0x20, s8, s9, $0xb8;
	[tilespmem:$0x1A400] =	vst v63  }
0x5c: {  	s7 =	simm.s32 $0xD80  }
0x5d: {  	[tilespmem:s23], [sflag:$0x1] =	stream.indirect.gather [hbm4b:s3+s9], $0x20, s7, s9, $0xb8;
	[tilespmem:$0x1A400] =	vst v63  }
0x5e: {  	s8 =	simm.s32 $0xE00  }
0x5f: {  	[tilespmem:s25], [sflag:$0x1] =	stream.indirect.gather [hbm4b:s3+s9], $0x20, s8, s9, $0xb8;
	[tilespmem:$0x1A400] =	vst v63  }
0x60: {  	s7 =	simm.s32 $0xE80  }
0x61: {  	[tilespmem:s28], [sflag:$0x1] =	stream.indirect.gather [hbm4b:s3+s9], $0x20, s7, s9, $0xb8;
	[tilespmem:$0x1A400] =	vst v63  }
0x62: {  	_ =	swait.ge [sflag:s4], $0xA000  }
0x63: {  	[sflag:s4] =	ssyncset.done $0x0  }
0x64: {  	s8 =	simm.s32 $0xF00;
	[sflag:s4] =	ssyncadd.s32 $0xFFFF6000  }
0x65: {  	[tilespmem:s30], [sflag:$0x2] =	stream.indirect.gather [hbm4b:s3+s9], $0x20, s8, s9, $0xb8;
	[tilespmem:$0x1A400] =	vst v63  }
0x66: {  	s7 =	simm.s32 $0xF80  }
0x67: {  	[tilespmem:s1], [sflag:$0x2] =	stream.indirect.gather [hbm4b:s3+s9], $0x20, s7, s9, $0xb8;
	[tilespmem:$0x1A400] =	vst v63  }
0x68: {  	s8 =	simm.s32 $0x1000  }
0x69: {  	[tilespmem:s12], [sflag:$0x2] =	stream.indirect.gather [hbm4b:s3+s9], $0x20, s8, s9, $0xb8;
	[tilespmem:$0x1A400] =	vst v63  }
0x6a: {  	s7 =	simm.s32 $0x1080  }
0x6b: {  	[tilespmem:s16], [sflag:$0x2] =	stream.indirect.gather [hbm4b:s3+s9], $0x20, s7, s9, $0xb8;
	[tilespmem:$0x1A400] =	vst v63  }
0x6c: {  	s8 =	simm.s32 $0x1100  }
0x6d: {  	[tilespmem:s20], [sflag:$0x2] =	stream.indirect.gather [hbm4b:s3+s9], $0x20, s8, s9, $0xb8;
	[tilespmem:$0x1A400] =	vst v63  }
0x6e: {  	s7 =	simm.s32 $0x1180  }
0x6f: {  	[tilespmem:s24], [sflag:$0x2] =	stream.indirect.gather [hbm4b:s3+s9], $0x20, s7, s9, $0xb8;
	[tilespmem:$0x1A400] =	vst v63  }
0x70: {  	s8 =	simm.s32 $0x1200  }
0x71: {  	[tilespmem:s29], [sflag:$0x2] =	stream.indirect.gather [hbm4b:s3+s9], $0x20, s8, s9, $0xb8;
	[tilespmem:$0x1A400] =	vst v63  }
0x72: {  	s7 =	simm.s32 $0x1280  }
0x73: {  	[tilespmem:s0], [sflag:$0x2] =	stream.indirect.gather [hbm4b:s3+s9], $0x20, s7, s9, $0xb8;
	[tilespmem:$0x1A400] =	vst v63  }
0x74: {  	s6 =	simm.s32 $0x2800;
	s8 =	simm.s32 $0x1300;
	s7 =	simm.s32 $0x1380  }
0x75: {  	[tilespmem:s18], [sflag:$0x2] =	stream.indirect.gather [hbm4b:s3+s9], $0x20, s8, s9, $0xb8;
	[tilespmem:$0x1A400] =	vst v63  }
.LBB2_2:
0x76: {  	[tilespmem:s26], [sflag:$0x2] =	stream.indirect.gather [hbm4b:s3+s9], $0x20, s7, s9, $0xb8;
	[tilespmem:$0x1A400] =	vst v63  }
0x77: {  	_ =	swait.ge [sflag:s31], $0xA000  }
0x78: {  	s7 =	smov.u32 s6;
	s8 =	rddreg [dreg:$0x4];
	[sflag:s31] =	ssyncset.done $0x0  }
0x79: {  	[sflag:s31] =	ssyncadd.s32 $0xFFFF6000;
	s8 =	sadd.s32 s7, s8  }
0x7a: {  	[hbm4b:s8+s2] =	stream.linear.scatter [tilespmem:s10], [sflag:$0x3], $0xA000, $0x38;
	[tilespmem:$0x1A400] =	vst v63  }
0x7b: {  	_ =	swait.ge [sflag:s14], $0xA000  }
0x7c: {  	s8 =	rddreg [dreg:$0x3];
	[sflag:s14] =	ssyncset.done $0x0  }
0x7d: {  	[sflag:s14] =	ssyncadd.s32 $0xFFFF6000;
	s8 =	sadd.s32 s7, s8  }
0x7e: {  	[hbm4b:s8+s2] =	stream.linear.scatter [tilespmem:s30], [sflag:$0x4], $0xA000, $0x38;
	[tilespmem:$0x1A400] =	vst v63  }
0x7f: {  	_ =	swait.ge [sflag:s22], $0xA000  }
0x80: {  	s7 =	sshra.s32 s7, $0x2;
	[sflag:s22] =	ssyncset.done $0x0  }
0x81: {  	s8 =	sadd.s32 $0xA00, s7;
	[sflag:s22] =	ssyncadd.s32 $0xFFFF6000  }
0x82: {  	[tilespmem:s10], [sflag:$0x1] =	stream.indirect.gather [hbm4b:s3+s9], $0x20, s8, s9, $0xb8;
	[tilespmem:$0x1A400] =	vst v63  }
0x83: {  	s8 =	sadd.s32 $0xA80, s7  }
0x84: {  	[tilespmem:s11], [sflag:$0x1] =	stream.indirect.gather [hbm4b:s3+s9], $0x20, s8, s9, $0xb8;
	[tilespmem:$0x1A400] =	vst v63  }
0x85: {  	s8 =	sadd.s32 $0xB00, s7  }
0x86: {  	[tilespmem:s13], [sflag:$0x1] =	stream.indirect.gather [hbm4b:s3+s9], $0x20, s8, s9, $0xb8;
	[tilespmem:$0x1A400] =	vst v63  }
0x87: {  	s8 =	sadd.s32 $0xB80, s7  }
0x88: {  	[tilespmem:s15], [sflag:$0x1] =	stream.indirect.gather [hbm4b:s3+s9], $0x20, s8, s9, $0xb8;
	[tilespmem:$0x1A400] =	vst v63  }
0x89: {  	s8 =	sadd.s32 $0xC00, s7  }
0x8a: {  	[tilespmem:s17], [sflag:$0x1] =	stream.indirect.gather [hbm4b:s3+s9], $0x20, s8, s9, $0xb8;
	[tilespmem:$0x1A400] =	vst v63  }
0x8b: {  	s8 =	sadd.s32 $0xC80, s7  }
0x8c: {  	[tilespmem:s19], [sflag:$0x1] =	stream.indirect.gather [hbm4b:s3+s9], $0x20, s8, s9, $0xb8;
	[tilespmem:$0x1A400] =	vst v63  }
0x8d: {  	s8 =	sadd.s32 $0xD00, s7  }
0x8e: {  	[tilespmem:s21], [sflag:$0x1] =	stream.indirect.gather [hbm4b:s3+s9], $0x20, s8, s9, $0xb8;
	[tilespmem:$0x1A400] =	vst v63  }
0x8f: {  	s8 =	sadd.s32 $0xD80, s7  }
0x90: {  	[tilespmem:s23], [sflag:$0x1] =	stream.indirect.gather [hbm4b:s3+s9], $0x20, s8, s9, $0xb8;
	[tilespmem:$0x1A400] =	vst v63  }
0x91: {  	s8 =	sadd.s32 $0xE00, s7  }
0x92: {  	[tilespmem:s25], [sflag:$0x1] =	stream.indirect.gather [hbm4b:s3+s9], $0x20, s8, s9, $0xb8;
	[tilespmem:$0x1A400] =	vst v63  }
0x93: {  	s8 =	sadd.s32 $0xE80, s7  }
0x94: {  	[tilespmem:s28], [sflag:$0x1] =	stream.indirect.gather [hbm4b:s3+s9], $0x20, s8, s9, $0xb8;
	[tilespmem:$0x1A400] =	vst v63  }
0x95: {  	_ =	swait.ge [sflag:s4], $0xA000  }
0x96: {  	[sflag:s4] =	ssyncset.done $0x0  }
0x97: {  	s8 =	sadd.s32 $0xF00, s7;
	[sflag:s4] =	ssyncadd.s32 $0xFFFF6000  }
0x98: {  	[tilespmem:s30], [sflag:$0x2] =	stream.indirect.gather [hbm4b:s3+s9], $0x20, s8, s9, $0xb8;
	[tilespmem:$0x1A400] =	vst v63  }
0x99: {  	s8 =	sadd.s32 $0xF80, s7  }
0x9a: {  	[tilespmem:s1], [sflag:$0x2] =	stream.indirect.gather [hbm4b:s3+s9], $0x20, s8, s9, $0xb8;
	[tilespmem:$0x1A400] =	vst v63  }
0x9b: {  	s8 =	sadd.s32 $0x1000, s7  }
0x9c: {  	[tilespmem:s12], [sflag:$0x2] =	stream.indirect.gather [hbm4b:s3+s9], $0x20, s8, s9, $0xb8;
	[tilespmem:$0x1A400] =	vst v63  }
0x9d: {  	s8 =	sadd.s32 $0x1080, s7  }
0x9e: {  	[tilespmem:s16], [sflag:$0x2] =	stream.indirect.gather [hbm4b:s3+s9], $0x20, s8, s9, $0xb8;
	[tilespmem:$0x1A400] =	vst v63  }
0x9f: {  	s8 =	sadd.s32 $0x1100, s7  }
0xa0: {  	[tilespmem:s20], [sflag:$0x2] =	stream.indirect.gather [hbm4b:s3+s9], $0x20, s8, s9, $0xb8;
	[tilespmem:$0x1A400] =	vst v63  }
0xa1: {  	s8 =	sadd.s32 $0x1180, s7  }
0xa2: {  	[tilespmem:s24], [sflag:$0x2] =	stream.indirect.gather [hbm4b:s3+s9], $0x20, s8, s9, $0xb8;
	[tilespmem:$0x1A400] =	vst v63  }
0xa3: {  	p0 =	sne.s32 s6, $0x14000;
	s8 =	sadd.s32 $0x1200, s7  }
0xa4: {  	[tilespmem:s29], [sflag:$0x2] =	stream.indirect.gather [hbm4b:s3+s9], $0x20, s8, s9, $0xb8;
	[tilespmem:$0x1A400] =	vst v63  }
.Ltmp0:
0xa5: {  	_ = 	snop;
	(pc) =	sbr.rel @p0 .LBB2_2-.Ltmp0, $4  }
0xa6: {  	s8 =	sadd.s32 $0x1280, s7  }
0xa7: {  	[tilespmem:s0], [sflag:$0x2] =	stream.indirect.gather [hbm4b:s3+s9], $0x20, s8, s9, $0xb8;
	[tilespmem:$0x1A400] =	vst v63  }
0xa8: {  	s6 =	sadd.s32 $0x2800, s6;
	s8 =	sadd.s32 $0x1300, s7;
	s7 =	sadd.s32 $0x1380, s7  }
0xa9: {  	[tilespmem:s18], [sflag:$0x2] =	stream.indirect.gather [hbm4b:s3+s9], $0x20, s8, s9, $0xb8;
	[tilespmem:$0x1A400] =	vst v63  }
0xaa: {  	[tilespmem:s26], [sflag:$0x2] =	stream.indirect.gather [hbm4b:s3+s9], $0x20, s7, s9, $0xb8;
	[tilespmem:$0x1A400] =	vst v63  }
0xab: {  	_ =	swait.ge [sflag:s31], $0xA000  }
0xac: {  	[sflag:s31] =	ssyncset.done $0x0  }
0xad: {  	s6 =	rddreg [dreg:$0x6];
	[sflag:s31] =	ssyncadd.s32 $0xFFFF6000  }
0xae: {  	[hbm4b:s6+s2] =	stream.linear.scatter [tilespmem:s10], [sflag:$0x3], $0xA000, $0x38;
	[tilespmem:$0x1A400] =	vst v63  }
0xaf: {  	_ =	swait.ge [sflag:s14], $0xA000  }
0xb0: {  	[sflag:s14] =	ssyncset.done $0x0  }
0xb1: {  	s7 =	rddreg [dreg:$0x7];
	[sflag:s14] =	ssyncadd.s32 $0xFFFF6000  }
0xb2: {  	[hbm4b:s7+s2] =	stream.linear.scatter [tilespmem:s30], [sflag:$0x4], $0xA000, $0x38;
	[tilespmem:$0x1A400] =	vst v63  }
0xb3: {  	_ =	swait.ge [sflag:s22], $0xA000  }
0xb4: {  	[sflag:s22] =	ssyncset.done $0x0  }
0xb5: {  	[sflag:s22] =	ssyncadd.s32 $0xFFFF6000  }
0xb6: {  	_ =	swait.ge [sflag:s4], $0xA000  }
0xb7: {  	s5 =	sadd.s32 $0x1, s5;
	s8 =	rddreg [dreg:$0x8]  }
0xb8: {  	p0 =	sne.s32 s5, s8  }
.Ltmp1:
0xb9: {  	_ = 	snop;
	(pc) =	sbr.rel @p0 .LBB2_1-.Ltmp1, $3  }
0xba: {  	_ =	sdelay $0x1  }
0xbb: {  	[sflag:s4] =	ssyncset.done $0x0  }
0xbc: {  	[sflag:s4] =	ssyncadd.s32 $0xFFFF6000  }
0xbd: {  	_ =	sfence.sel $0x180000  }
0xbe: {  	[bflag:$0x0] =	sbarrier.arrive $0xFFFF  }
0xbf: {  	_ =	strace $0x90000047  }
0xc0: {  	s0 =	stileid.u32;
	[bflag:$0x2] =	sbarrier.arrive $0xFFFF  }
0xc1: {  	p0 =	sne.s32 s0, $0x0;
	s0 =	rddreg [dreg:$0x2]  }
0xc2: {  	s0 =	sadd.s32 @!p0 $0x100000, s0  }
0xc3: {  	[sflag:s0] =	ssyncadd.tile.s32 @!p0 $0x1;
	_ =	shalt  }
.Lfunc_end2:
_tile_overlayer_lowered:
.L_overlay_start_2:
0xc4: {  	(tag) =	ssettag $0x2  }
0xc5: {  	s0 =	rddreg [dreg:$0x0];
	s2 =	stileid.u32  }
0xc6: {  	s1 =	rddreg [dreg:$0x1];
	p0 =	sne.s32 s2, $0x0  }
0xc7: {  	s3 =	rddreg [dreg:$0x2];
	[bflag:$0x3] =	sbarrier.arrive $0xFFFF;
	s2 =	simm.s32 @!p0 $0x1C05  }
0xc8: {  	[timem:s3], [sflag:s2] =	dma.local @!p0 [hbm:s0], s1  }
0xc9: {  	s0 =	simm.s32 @!p0 $0x5  }
0xca: {  	_ =	swait.ge @!p0 [sflag:s0], s1  }
0xcb: {  	s1 =	ssub.s32 @!p0 $0x0, s1;
	[sflag:s0] =	ssyncset.done @!p0 $0x0  }
0xcc: {  	[sflag:s0] =	ssyncadd.s32 @!p0 s1  }
0xcd: {  	[bflag:$0x3] =	sbarrier.arrive $0xFFFF  }
0xce: {  	_ =	shalt  }

// kernel: sparse-core-data-format-call.1.cloned.1.call-start
scs
called_computation.1_lowered:
.L_overlay_start_0:
0x0: {  	s2 =	sld [smem:$0x3FD9]  }
0x1: {  	s3 =	sld [smem:$0x3FFE];
	_ =	sdelay $0x1  }
0x2: {  	s1 =	srdreg.scid  }
0x3: {  	s0 =	sand.u32 $0x1, s1  }
0x4: {  	s18 =	sshll.u32 s0, $0xA;
	s2 =	sadd.s32 s3, s2  }
0x5: {  	s2 =	sadd.s32 s2, s18  }
0x6: {  	[smem:$0x3FC6] =	sst s2  }
0x7: {  	_ = 	snop  }
0x8: {  	s2 =	sld [smem:$0x3FD0];
	(tm) =	ssettm $0x1  }
0x9: {  	s19 =	sld [smem:$0x3FFB];
	_ =	sdelay $0x3  }
0xa: {  	_ =	strace s19  }
0xb: {  	s3 =	sld [smem:$0x3FFC];
	_ =	sdelay $0x3  }
0xc: {  	_ =	strace s3  }
0xd: {  	s3 =	sld [smem:$0x3FFD];
	_ =	sdelay $0x3  }
0xe: {  	_ =	strace s3  }
0xf: {  	_ =	strace $0x8FFFFFFF  }
0x10: {  	s20 =	sld [smem:$0x3FDB];
	_ =	sdelay $0x1  }
0x11: {  	s4 =	simm.s32 $_scs_section_size  }
0x12: {  	s5 =	simm.s32 $_size__tile_overlayer_lowered;
	s6 =	simm.s32 $_tile_overlayer_lowered  }
0x13: {  	s23 =	simm.s32 $0x1BFF;
	s22 =	sshll.u32 s6, $0x1;
	s3 =	sadd.s32 s4, s20  }
0x14: {  	s7 =	simm.s32 $0x0;
	s21 =	sshll.u32 s5, $0x1;
	s5 =	sadd.s32 s22, s3  }
0x15: {  	[timem:s7], [sflag:s23] =	dma.local [hbm:s5], s21  }
0x16: {  	_ =	swait.ge [sflag:s23], s21  }
0x17: {  	s4 =	ssub.s32 $0x0, s21;
	[sflag:s23] =	ssyncset.done $0x0  }
0x18: {  	[sflag:s23] =	ssyncadd.s32 s4;
	_ =	sdelay $0x1  }
0x19: {  	s24 =	simm.s32 $0x1B8B  }
0x1a: {  	_ =	swait.ge [sflag:s24], $0x1  }
0x1b: {  	[sflag:s24] =	ssyncset.done $0x0  }
0x1c: {  	s26 =	simm.s32 $0x1B8E;
	s25 =	sld [smem:$0x3FFE];
	[sflag:s24] =	ssyncadd.s32 $0xFFFFFFFF  }
0x1d: {  	s27 =	simm.s32 $execute0_lowered;
	[smem:$0x3FD2] =	sst s26  }
0x1e: {  	s5 =	sshll.u32 s27, $0x1;
	_ =	strace $0x80000049;
	[dreg:$0x1] =	wrdreg $0xFFFFFFFF  }
0x1f: {  	s28 =	simm.s32 $_size_execute0_lowered;
	s3 =	sadd.s32 s3, s5;
	[dreg:$0x0] =	wrdreg $0x0  }
0x20: {  	s5 =	sshll.u32 s28, $0x1;
	[dreg:$0x2] =	wrdreg s3  }
0x21: {  	[dreg:$0x3] =	wrdreg s5  }
0x22: {  	[dreg:$0x4] =	wrdreg $0xC0  }
0x23: {  	_ =	task [dreg:s7], $0x5FFFF  }
0x24: {  	[dreg:$0x1] =	wrdreg $0xFFFFFFFF  }
0x25: {  	[dreg:$0x0] =	wrdreg $0x60  }
0x26: {  	[dreg:$0x2] =	wrdreg s25  }
0x27: {  	[dreg:$0x3] =	wrdreg s2  }
0x28: {  	[dreg:$0x4] =	wrdreg $0x9  }
0x29: {  	_ =	task.clear_ibuf [dreg:s7], $0x5FFFF;
	_ =	strace $0x90000049  }
0x2a: {  	s29 =	simm.s32 $0x9;
	_ =	strace $0x8000004B  }
0x2b: {  	_ =	swait.ge [sflag:s29], $0x1  }
0x2c: {  	[sflag:s29] =	ssyncadd.s32 $0xFFFFFFFF  }
0x2d: {  	_ =	strace $0x9000004B  }
0x2e: {  	_ =	sfence  }
0x2f: {  	s30 =	sld [smem:$0x0];
	_ =	sdelay $0x2  }
0x30: {  	s31 =	sshll.u32 s1, $0xD;
	s1 =	sshrl.u32 s1, $0x2  }
0x31: {  	s3 =	sand.u32 $0x4000, s31;
	s1 =	sadd.s32 s1, s30  }
0x32: {  	s0 =	sor.u32 s3, s0;
	s1 =	sshll.u32 s1, $0x11  }
0x33: {  	s0 =	sor.u32 s1, s0  }
0x34: {  	s0 =	sadd.s32 $0x8F2B, s0  }
0x35: {  	[sflag:s0] =	ssyncadd.remote.s32 $0x1  }
0x36: {  	_ =	sfence.sel $0xFFFF  }
0x37: {  	[dreg:$0x0] =	wrdreg $0xFFFFFFFF;
	(pc) =	sbr.abs _section_cstart, $3  }
0x38: {  	[dreg:$0x1] =	wrdreg $0xFFFFFFFF  }
0x39: {  	_ =	task.clear_ibuf [dreg:s7], $0x2FFFF;
	_ =	strace $0x9FFFFFFF  }
0x3a: {  	(tm) =	ssettm $0x7FFFFFFF  }
0x3b: {  	_ =	shalt  }
tec
execute0_lowered:
.L_overlay_start_1:
0x0: {  	(tag) =	ssettag $0x1  }
0x1: {  	s0 =	srdreg.scid  }
0x2: {  	s1 =	sshll.u32 s0, $0x4  }
0x3: {  	s4 =	rddreg [dreg:$0x0];
	s0 =	stileid.u32;
	s1 =	sand.u32 $0x10, s1  }
0x4: {  	s2 =	rddreg [dreg:$0x1];
	s7 =	simm.s32 $0x1;
	s1 =	sor.u32 s0, s1  }
0x5: {  	s8 =	simm.s32 $0x2;
	s11 =	simm.s32 $0x0;
	s3 =	sshll.u32 s1, $0x7  }
0x6: {  	s10 =	simm.s32 $0x0;
	s4 =	sadd.s32 $0xE00, s4;
	s6 =	ssub.s32 $0xC8000, s3  }
.Ltmp0:
0x7: {  	s1 =	rddreg [dreg:$0x2];
	s5 =	sand.u32 $0xF80, s6;
	(pc) =	sbr.rel .LBB1_1-.Ltmp0, $4  }
0x8: {  	_ =	strace $0x8000004A;
	s9 =	smov.u32 s3;
	p0 =	sne.s32 s5, $0x0  }
0x9: {  	s6 =	sshrl.u32 s6, $0xC;
	s5 =	simm.s32 $0x1;
	s7 =	simm.s32 @!p0 $0x0  }
0xa: {  	[sflag:s5] =	ssyncpa.u1 $0x0;
	p0 =	por $0x0, $0x0;
	s6 =	sadd.s32 s7, s6  }
0xb: {  	[sflag:s8] =	ssyncpa.u1 $0x0;
	s8 =	simm.s32 $0x640000;
	s7 =	sadd.s32 $0x1, s6  }
.LBB1_4:
0xc: {  	s14 =	sshll.u32 s11, $0x3  }
0xd: {  	s30 =	sand.u32 $0x7F, s11;
	s15 =	sand.u32 $0xFFFFFC00, s14  }
0xe: {  	s11 =	sor.u32 s30, s15  }
0xf: {  	s15 =	smulhi.u32 $0x51EB851F, s11  }
0x10: {  	s14 =	smulhi.u32 $0x51EB851F, s14  }
0x11: {  	s15 =	sshrl.u32 s15, $0x12  }
0x12: {  	s14 =	sshrl.u32 s14, $0x12;
	s15 =	smul.u32 $0xC8000, s15  }
0x13: {  	s14 =	sand.u32 $0x1F, s14  }
0x14: {  	s14 =	smul.u32 $0x19000, s14;
	s11 =	ssub.s32 s11, s15  }
0x15: {  	s15 =	sand.u32 $0x7, s11  }
0x16: {  	s14 =	sadd.s32 s2, s14;
	s11 =	sshrl.u32 s11, $0x3;
	s15 =	sshll.u32 s15, $0x12  }
0x17: {  	[tilespmem:s13+$0x0 ss:$0x81] =	vst.msk $0xffff, v0;
	s11 =	sadd.s32 s11, s14;
	s31 =	sor.u32 $0x400, s15  }
0x18: {  	[hbm4b:s11+s31] =	stream.strided.scatter [tilespmem:s12], [sflag:$0x2], $0x1000, s8, s31, $0x20;
	[tilespmem:$0x4040] =	vst v63  }
.LBB1_5:
0x19: {  	s13 =	sadd.s32 $0x1000, s9  }
0x1a: {  	p2 =	sgt.s32 s13, $0xC7FFF  }
0x1b: {  	s13 =	smov.u32 @p2 s3;
	p2 =	sne.s32 s10, s7  }
.Ltmp1:
0x1c: {  	p1 =	slt.u32 s10, $0x2;
	(pc) =	sbr.rel @!p2 .LBB1_6-.Ltmp1, $4  }
0x1d: {  	s12 =	simm.s32 @!p1 $0x2  }
0x1e: {  	s14 =	sadd.s32 $0x1, s10;
	_ =	swait.ge @!p1 [sflag:s12], $0x1000  }
0x1f: {  	s11 =	smov.u32 s9;
	p0 =	por !p0, !p0;
	[sflag:s12] =	ssyncset.done @!p1 $0x0  }
0x20: {  	s10 =	smov.u32 s14;
	s9 =	smov.u32 s13;
	[sflag:s12] =	ssyncadd.s32 @!p1 $0xFFFFF000  }
.LBB1_1:
0x21: {  	p1 =	sge.u32 s10, s6  }
0x22: {  	s12 =	sand.u32 @!p1 $0x1FFFFFF, s9  }
0x23: {  	s13 =	smulhi.u32 @!p1 $0x147AE15, s12;
	_ =	sdelay $0x1  }
0x24: {  	s13 =	sshrl.u32 @!p1 s13, $0xC  }
0x25: {  	s13 =	smul.u32 @!p1 $0xC8000, s13;
	_ =	sdelay $0x1  }
0x26: {  	s31 =	sadd.s32 $0xFFFFFFFF, s10;
	s14 =	sxor.u32 @!p1 $0xFFFFFFFF, s10;
	s12 =	ssub.s32 @!p1 s12, s13  }
0x27: {  	s15 =	simm.s32 @!p1 $0x80;
	s14 =	sshll.u32 @!p1 s14, $0xC;
	s12 =	sshll.u32 @!p1 s12, $0x4  }
0x28: {  	s13 =	sand.u32 @!p1 $0x1000, s14;
	s14 =	simm.s32 @!p1 $0x20;
	s12 =	sadd.s32 @!p1 s4, s12  }
0x29: {  	[tilespmem:s13], [sflag:$0x1] =	stream.strided.gather @!p1 [hbm4b:s12+s14], $0x1000, s15, s14, $0x38;
	[tilespmem:$0x4040] =	vst v63  }
0x2a: {  	p1 =	sge.u32 s31, s6  }
.Ltmp2:
0x2b: {  	_ = 	snop;
	(pc) =	sbr.rel @p1 .LBB1_5-.Ltmp2, $1  }
0x2c: {  	_ =	sdelay $0x3  }
0x2d: {  	s12 =	simm.s32 $0x1  }
0x2e: {  	_ =	swait.ge [sflag:s5], $0x1000;
	s12 =	simm.s32 @!p0 $0x0  }
0x2f: {  	[sflag:s5] =	ssyncset.done $0x0;
	s13 =	sshll.u32 s12, $0xC  }
0x30: {  	[sflag:s5] =	ssyncadd.s32 $0xFFFFF000;
	s16 =	sor.u32 $0x10, s13  }
0x31: {  	s12 =	smul.u32 $0x4080, s12;
	v1 =	vld [tilespmem:s16+$0x0]  }
0x32: {  	s30 =	sand.u32 $0x1, s10;
	v0 =	vld [tilespmem:s16+$0xFFFFFFF0]  }
0x33: {  	s13 =	smul.u32 $0x4080, s30;
	s12 =	sshrl.u32 s12, $0x2  }
0x34: {  	s14 =	sor.u32 $0x2000, s12  }
0x35: {  	s31 =	sshrl.u32 s13, $0x2;
	s13 =	sadd.s32 $0x0, s14  }
0x36: {  	s15 =	simm.s32 $0x4;
	s16 =	sadd.s32 $0x20, s16;
	s12 =	sor.u32 $0x2000, s31;
	[tilespmem:s13+$0x810 ss:$0x81] =	vst.msk $0xffff, v1  }
.LBB1_3:
0x37: {  	v1 =	vld [tilespmem:s16+$0x0];
	p1 =	sne.s32 s15, $0x1FC;
	[tilespmem:s13+$0x0 ss:$0x81] =	vst.msk $0xffff, v0;
	s13 =	smov.u32 s15;
	s15 =	sadd.s32 $0x4, s15  }
.Ltmp3:
0x38: {  	v0 =	vld [tilespmem:s16+$0xFFFFFFF0];
	(pc) =	sbr.rel @p1 .LBB1_3-.Ltmp3, $4  }
0x39: {  	_ = 	snop  }
0x3a: {  	s13 =	sshra.s32 s13, $0x2  }
0x3b: {  	s13 =	sadd.s32 s13, s14  }
0x3c: {  	s16 =	sadd.s32 $0x20, s16;
	[tilespmem:s13+$0x810 ss:$0x81] =	vst.msk $0xffff, v1  }
.Ltmp4:
0x3d: {  	_ = 	snop;
	(pc) =	sbr.rel .LBB1_4-.Ltmp4, $1  }
0x3e: {  	_ =	sdelay $0x3  }
.LBB1_6:
0x3f: {  	_ =	sfence.sel $0x180000  }
0x40: {  	s2 =	simm.s32 $0x1;
	[bflag:$0x0] =	sbarrier.arrive $0xFFFF  }
0x41: {  	s31 =	simm.s32 $0x2;
	[sflag:s2] =	ssyncpa.u1 $0x1  }
0x42: {  	[sflag:s31] =	ssyncpa.u1 $0x1  }
0x43: {  	p0 =	sne.s32 s0, $0x0;
	_ =	strace $0x9000004A  }
0x44: {  	s0 =	sadd.s32 @!p0 $0x100000, s1;
	[bflag:$0x2] =	sbarrier.arrive $0xFFFF  }
0x45: {  	[sflag:s0] =	ssyncadd.tile.s32 @!p0 $0x1;
	_ =	shalt  }
.Lfunc_end1:
_tile_overlayer_lowered:
.L_overlay_start_2:
0x46: {  	(tag) =	ssettag $0x2  }
0x47: {  	s0 =	rddreg [dreg:$0x0];
	s2 =	stileid.u32  }
0x48: {  	s1 =	rddreg [dreg:$0x1];
	p0 =	sne.s32 s2, $0x0  }
0x49: {  	s3 =	rddreg [dreg:$0x2];
	[bflag:$0x3] =	sbarrier.arrive $0xFFFF;
	s2 =	simm.s32 @!p0 $0x1C01  }
0x4a: {  	[timem:s3], [sflag:s2] =	dma.local @!p0 [hbm:s0], s1  }
0x4b: {  	s0 =	simm.s32 @!p0 $0x1  }
0x4c: {  	_ =	swait.ge @!p0 [sflag:s0], s1  }
0x4d: {  	s1 =	ssub.s32 @!p0 $0x0, s1;
	[sflag:s0] =	ssyncset.done @!p0 $0x0  }
0x4e: {  	[sflag:s0] =	ssyncadd.s32 @!p0 s1  }
0x4f: {  	[bflag:$0x3] =	sbarrier.arrive $0xFFFF  }
0x50: {  	_ =	shalt  }

// kernel: sparse-core-data-format-call.cloned.1.call-start
scs
called_computation_lowered:
.L_overlay_start_0:
0x0: {  	s2 =	sld [smem:$0x3FD9]  }
0x1: {  	s3 =	sld [smem:$0x3FFE];
	_ =	sdelay $0x1  }
0x2: {  	s1 =	srdreg.scid  }
0x3: {  	s0 =	sand.u32 $0x1, s1  }
0x4: {  	s18 =	sshll.u32 s0, $0xA;
	s2 =	sadd.s32 s3, s2  }
0x5: {  	s2 =	sadd.s32 s2, s18  }
0x6: {  	[smem:$0x3FC6] =	sst s2  }
0x7: {  	_ = 	snop  }
0x8: {  	s2 =	sld [smem:$0x3FD0];
	(tm) =	ssettm $0x1  }
0x9: {  	s19 =	sld [smem:$0x3FFB];
	_ =	sdelay $0x3  }
0xa: {  	_ =	strace s19  }
0xb: {  	s3 =	sld [smem:$0x3FFC];
	_ =	sdelay $0x3  }
0xc: {  	_ =	strace s3  }
0xd: {  	s3 =	sld [smem:$0x3FFD];
	_ =	sdelay $0x3  }
0xe: {  	_ =	strace s3  }
0xf: {  	_ =	strace $0x8FFFFFFF  }
0x10: {  	s20 =	sld [smem:$0x3FDB];
	_ =	sdelay $0x1  }
0x11: {  	s4 =	simm.s32 $_scs_section_size  }
0x12: {  	s5 =	simm.s32 $_size__tile_overlayer_lowered;
	s6 =	simm.s32 $_tile_overlayer_lowered  }
0x13: {  	s23 =	simm.s32 $0x1BFF;
	s22 =	sshll.u32 s6, $0x1;
	s3 =	sadd.s32 s4, s20  }
0x14: {  	s7 =	simm.s32 $0x0;
	s21 =	sshll.u32 s5, $0x1;
	s5 =	sadd.s32 s22, s3  }
0x15: {  	[timem:s7], [sflag:s23] =	dma.local [hbm:s5], s21  }
0x16: {  	_ =	swait.ge [sflag:s23], s21  }
0x17: {  	s4 =	ssub.s32 $0x0, s21;
	[sflag:s23] =	ssyncset.done $0x0  }
0x18: {  	[sflag:s23] =	ssyncadd.s32 s4;
	_ =	sdelay $0x1  }
0x19: {  	s24 =	simm.s32 $0x1B8B  }
0x1a: {  	_ =	swait.ge [sflag:s24], $0x1  }
0x1b: {  	[sflag:s24] =	ssyncset.done $0x0  }
0x1c: {  	s26 =	simm.s32 $0x1B8E;
	s25 =	sld [smem:$0x3FFE];
	[sflag:s24] =	ssyncadd.s32 $0xFFFFFFFF  }
0x1d: {  	s27 =	simm.s32 $execute0_lowered;
	[smem:$0x3FD2] =	sst s26  }
0x1e: {  	s5 =	sshll.u32 s27, $0x1;
	_ =	strace $0x8000004C;
	[dreg:$0x1] =	wrdreg $0xFFFFFFFF  }
0x1f: {  	s28 =	simm.s32 $_size_execute0_lowered;
	s3 =	sadd.s32 s3, s5;
	[dreg:$0x0] =	wrdreg $0x0  }
0x20: {  	s5 =	sshll.u32 s28, $0x1;
	[dreg:$0x2] =	wrdreg s3  }
0x21: {  	[dreg:$0x3] =	wrdreg s5  }
0x22: {  	[dreg:$0x4] =	wrdreg $0xC0  }
0x23: {  	_ =	task [dreg:s7], $0x5FFFF  }
0x24: {  	[dreg:$0x1] =	wrdreg $0xFFFFFFFF  }
0x25: {  	[dreg:$0x0] =	wrdreg $0x60  }
0x26: {  	[dreg:$0x2] =	wrdreg s25  }
0x27: {  	[dreg:$0x3] =	wrdreg s2  }
0x28: {  	[dreg:$0x4] =	wrdreg $0x9  }
0x29: {  	_ =	task.clear_ibuf [dreg:s7], $0x5FFFF;
	_ =	strace $0x9000004C  }
0x2a: {  	s29 =	simm.s32 $0x9;
	_ =	strace $0x8000004E  }
0x2b: {  	_ =	swait.ge [sflag:s29], $0x1  }
0x2c: {  	[sflag:s29] =	ssyncadd.s32 $0xFFFFFFFF  }
0x2d: {  	_ =	strace $0x9000004E  }
0x2e: {  	_ =	sfence  }
0x2f: {  	s30 =	sld [smem:$0x0];
	_ =	sdelay $0x2  }
0x30: {  	s31 =	sshll.u32 s1, $0xD;
	s1 =	sshrl.u32 s1, $0x2  }
0x31: {  	s3 =	sand.u32 $0x4000, s31;
	s1 =	sadd.s32 s1, s30  }
0x32: {  	s0 =	sor.u32 s3, s0;
	s1 =	sshll.u32 s1, $0x11  }
0x33: {  	s0 =	sor.u32 s1, s0  }
0x34: {  	s0 =	sadd.s32 $0x8F2B, s0  }
0x35: {  	[sflag:s0] =	ssyncadd.remote.s32 $0x1  }
0x36: {  	_ =	sfence.sel $0xFFFF  }
0x37: {  	[dreg:$0x0] =	wrdreg $0xFFFFFFFF;
	(pc) =	sbr.abs _section_cstart, $3  }
0x38: {  	[dreg:$0x1] =	wrdreg $0xFFFFFFFF  }
0x39: {  	_ =	task.clear_ibuf [dreg:s7], $0x2FFFF;
	_ =	strace $0x9FFFFFFF  }
0x3a: {  	(tm) =	ssettm $0x7FFFFFFF  }
0x3b: {  	_ =	shalt  }
tec
execute0_lowered:
.L_overlay_start_1:
0x0: {  	(tag) =	ssettag $0x1  }
0x1: {  	s8 =	rddreg [dreg:$0x0]  }
0x2: {  	s2 =	rddreg [dreg:$0x1];
	s1 =	stileid.u32  }
0x3: {  	s4 =	srdreg.scid;
	s0 =	rddreg [dreg:$0x2];
	_ =	strace $0x8000004D  }
0x4: {  	s9 =	simm.s32 $0x1;
	s31 =	simm.s32 $0x2;
	s16 =	simm.s32 $0x0  }
0x5: {  	s17 =	simm.s32 $0x0;
	s11 =	simm.s32 $0x0;
	s12 =	simm.s32 $0x0  }
0x6: {  	s15 =	simm.s32 $0x0;
	s3 =	sshll.u32 s1, $0x1;
	s4 =	sshll.u32 s4, $0x7  }
0x7: {  	s4 =	sand.u32 $0x80, s4;
	s5 =	ssub.s32 $0x20, s3;
	s14 =	smov.u32 s3  }
0x8: {  	s6 =	sshrl.u32 s5, $0x5;
	s5 =	sand.u32 $0x1E, s5;
	s7 =	ssub.s32 $0x4000, s4  }
0x9: {  	p0 =	sne.s32 s5, $0x0;
	s30 =	sshrl.u32 s7, $0x7;
	s7 =	sshrl.u32 s7, $0x8  }
.Ltmp0:
0xa: {  	s9 =	simm.s32 @!p0 $0x0;
	s10 =	sand.u32 $0x1, s30;
	(pc) =	sbr.rel .LBB1_1-.Ltmp0, $4  }
0xb: {  	s5 =	simm.s32 $0x1;
	s6 =	sadd.s32 s9, s6;
	s7 =	sadd.s32 s7, s10  }
0xc: {  	s13 =	smov.u32 s4;
	[sflag:s5] =	ssyncpa.u1 $0x0;
	s6 =	smul.u32 s6, s7  }
0xd: {  	p0 =	por $0x0, $0x0;
	[sflag:s31] =	ssyncpa.u1 $0x0;
	s10 =	simm.s32 $0x80000  }
0xe: {  	s7 =	sadd.s32 $0xE00, s8;
	s8 =	sadd.s32 $0x40E00, s8;
	s9 =	sadd.s32 $0x1, s6  }
.LBB1_7:
0xf: {  	p1 =	slt.u32 s15, $0x2  }
0x10: {  	s19 =	smov.u32 s17;
	p2 =	sgt.s32 @!p1 s17, $0x1E;
	s18 =	sshra.s32 @!p1 s17, $0x1F  }
0x11: {  	p3 =	sgt.s32 @!p1 s16, $0x3F80;
	s20 =	sshra.s32 @!p1 s16, $0x1F;
	p2 =	por !p2, p1  }
0x12: {  	s17 =	sand.u32 @!p1 s18, s17;
	p3 =	por !p3, p1;
	s18 =	smov.u32 s16  }
0x13: {  	s16 =	sand.u32 @!p1 s20, s16;
	s19 =	simm.s32 @p2 $0x1E;
	s18 =	simm.s32 @p3 $0x3F80  }
0x14: {  	s20 =	smov.u32 s14;
	s17 =	ssub.s32 @!p1 s19, s17;
	s16 =	ssub.s32 @!p1 s18, s16  }
0x15: {  	s18 =	sadd.s32 @!p1 $0xFFFFFFE2, s17;
	s17 =	ssub.s32 @!p1 $0x20, s17;
	s19 =	sadd.s32 @!p1 $0xFFFFC080, s16  }
0x16: {  	p2 =	sgt.s32 @!p1 s18, $0x1;
	s17 =	smul.u32 @!p1 $0x32, s17;
	p3 =	sgt.s32 @!p1 s19, $0x7F  }
0x17: {  	s16 =	ssub.s32 @!p1 $0x4000, s16;
	p2 =	por !p2, p1;
	p3 =	por !p3, p1  }
0x18: {  	s18 =	sadd.s32 $0x100, s13;
	s17 =	simm.s32 @!p2 $0x0;
	s16 =	simm.s32 @!p3 $0x0  }
0x19: {  	p2 =	sgt.s32 s18, $0x3FFF;
	s16 =	smul.u32 @!p1 s16, s17;
	s17 =	sadd.s32 $0x20, s14  }
0x1a: {  	s20 =	smov.u32 @p2 s17  }
0x1b: {  	s18 =	smov.u32 @p2 s4;
	p2 =	sgt.s32 s20, $0x1F  }
0x1c: {  	s20 =	smov.u32 @p2 s3;
	p2 =	sne.s32 s15, s9  }
.Ltmp1:
0x1d: {  	p0 =	por !p0, !p0;
	s19 =	simm.s32 @!p1 $0x2;
	(pc) =	sbr.rel @!p2 .LBB1_8-.Ltmp1, $4  }
0x1e: {  	s17 =	smov.u32 s12;
	s12 =	smov.u32 s14;
	s16 =	sand.u32 @!p1 $0x3FFFFFFE, s16  }
0x1f: {  	_ =	swait.ge @!p1 [sflag:s19], s16;
	s21 =	ssub.s32 @!p1 $0x0, s16;
	s16 =	smov.u32 s11  }
0x20: {  	s15 =	sadd.s32 $0x1, s15;
	s11 =	smov.u32 s13;
	[sflag:s19] =	ssyncset.done @!p1 $0x0  }
0x21: {  	s13 =	smov.u32 s18;
	s14 =	smov.u32 s20;
	[sflag:s19] =	ssyncadd.s32 @!p1 s21  }
.LBB1_1:
0x22: {  	p1 =	sge.u32 s15, s6  }
0x23: {  	s18 =	sxor.u32 @!p1 $0xFFFFFFFF, s15;
	s19 =	sshll.u32 @!p1 s14, $0x12  }
0x24: {  	s20 =	sshll.u32 @!p1 s13, $0x4;
	s22 =	simm.s32 @!p1 $0x40;
	s23 =	simm.s32 @!p1 $0x80  }
0x25: {  	s18 =	sshll.u32 @!p1 s18, $0xE;
	s20 =	sand.u32 @!p1 $0x3FFF0, s20;
	s21 =	sadd.s32 @!p1 s7, s19  }
0x26: {  	s19 =	sadd.s32 @!p1 s19, s8;
	s18 =	sand.u32 @!p1 $0x4000, s18;
	s21 =	sadd.s32 @!p1 s20, s21  }
0x27: {  	[tilespmem:s18], [sflag:$0x1] =	stream.strided.gather @!p1 [hbm4b:s21+s22], $0x2000, s23, s22, $0x38;
	[tilespmem:$0x10100] =	vst v63  }
0x28: {  	s31 =	sadd.s32 $0xFFFFFFFF, s15;
	s19 =	sadd.s32 @!p1 s20, s19;
	s18 =	sor.u32 @!p1 $0x2000, s18  }
0x29: {  	[tilespmem:s18], [sflag:$0x1] =	stream.strided.gather @!p1 [hbm4b:s19+s22], $0x2000, s23, s22, $0x38;
	[tilespmem:$0x10100] =	vst v63  }
0x2a: {  	p1 =	sge.u32 s31, s6  }
.Ltmp2:
0x2b: {  	_ = 	snop;
	(pc) =	sbr.rel @p1 .LBB1_7-.Ltmp2, $1  }
0x2c: {  	_ =	sdelay $0x3  }
0x2d: {  	s18 =	simm.s32 $0x1;
	s20 =	sand.u32 $0x1, s15  }
0x2e: {  	_ =	swait.ge [sflag:s5], $0x4000;
	s18 =	simm.s32 @!p0 $0x0;
	s20 =	smul.u32 $0x10200, s20  }
0x2f: {  	p2 =	por $0x1, $0x1;
	[sflag:s5] =	ssyncset.done $0x0;
	s19 =	smul.u32 $0x10200, s18  }
0x30: {  	s21 =	sshll.u32 s18, $0x10;
	[sflag:s5] =	ssyncadd.s32 $0xFFFFC000;
	s30 =	sshrl.u32 s20, $0x2  }
0x31: {  	s31 =	sshrl.u32 s21, $0x2;
	s21 =	simm.s32 $0x0;
	s19 =	sshrl.u32 s19, $0x2  }
0x32: {  	s18 =	sor.u32 $0x8000, s30;
	s20 =	sadd.s32 $0x20, s31;
	s19 =	sor.u32 $0x8000, s19  }
.LBB1_3:
0x33: {  	s22 =	sshll.u32 s21, $0xD  }
0x34: {  	s22 =	sand.u32 $0x3FFFE000, s22  }
0x35: {  	s24 =	sadd.s32 s22, s20  }
0x36: {  	s31 =	smul.u32 $0x204, s21;
	v3 =	vld [tilespmem:s24+$0x10]  }
0x37: {  	v1 =	vld [tilespmem:s24+$0xFFFFFFF0]  }
0x38: {  	s21 =	sshra.s32 s31, $0x2;
	v0 =	vld [tilespmem:s24+$0x0]  }
0x39: {  	s21 =	sadd.s32 s21, s19;
	v2 =	vld [tilespmem:s24+$0xFFFFFFE0]  }
0x3a: {  	s22 =	sadd.s32 $0x0, s21  }
0x3b: {  	p1 =	por p2, p2;
	s23 =	simm.s32 $0x4;
	s24 =	sadd.s32 $0x40, s24;
	[tilespmem:s22+$0x3060 ss:$0x102] =	vst.msk $0xffff, v3  }
.LBB1_4:
0x3c: {  	v3 =	vld [tilespmem:s24+$0x10];
	p2 =	sne.s32 s23, $0x1FC;
	[tilespmem:s22+$0x1020 ss:$0x102] =	vst.msk $0xffff, v1;
	s25 =	smov.u32 s23;
	s23 =	sadd.s32 $0x4, s23  }
.Ltmp3:
0x3d: {  	v1 =	vld [tilespmem:s24+$0xFFFFFFF0];
	[tilespmem:s22+$0x2040 ss:$0x102] =	vst.msk $0xffff, v0;
	(pc) =	sbr.rel @p2 .LBB1_4-.Ltmp3, $4  }
0x3e: {  	v0 =	vld [tilespmem:s24+$0x0];
	[tilespmem:s22+$0x0 ss:$0x102] =	vst.msk $0xffff, v2  }
0x3f: {  	s22 =	sshra.s32 s25, $0x2;
	v2 =	vld [tilespmem:s24+$0xFFFFFFE0]  }
0x40: {  	s22 =	sadd.s32 s22, s21  }
0x41: {  	s24 =	sadd.s32 $0x40, s24;
	[tilespmem:s22+$0x3060 ss:$0x102] =	vst.msk $0xffff, v3  }
.Ltmp4:
0x42: {  	(pc) =	sbr.rel @p1 .LBB1_3-.Ltmp4, $4  }
0x43: {  	_ = 	snop  }
0x44: {  	[tilespmem:s22+$0x1020 ss:$0x102] =	vst.msk $0xffff, v1  }
0x45: {  	[tilespmem:s22+$0x2040 ss:$0x102] =	vst.msk $0xffff, v0  }
0x46: {  	s21 =	simm.s32 $0x1;
	p2 =	por $0x0, $0x0;
	[tilespmem:s22+$0x0 ss:$0x102] =	vst.msk $0xffff, v2  }
0x47: {  	s19 =	sand.u32 $0x78, s11;
	p1 =	sgt.s32 s12, $0x1E;
	s20 =	smov.u32 s12  }
0x48: {  	s21 =	sshra.s32 s12, $0x1F;
	s22 =	sshll.u32 s12, $0xE;
	s23 =	sshll.u32 s11, $0x3  }
0x49: {  	s30 =	sshra.s32 s11, $0x1F;
	s25 =	sshll.u32 s12, $0x7;
	s20 =	simm.s32 @!p1 $0x1E  }
0x4a: {  	s21 =	sand.u32 s21, s12;
	s22 =	sand.u32 $0x60000, s22;
	p1 =	sgt.s32 s11, $0x3F80  }
0x4b: {  	s25 =	sand.u32 $0x380, s25;
	s20 =	ssub.s32 s20, s21;
	s21 =	smov.u32 s11  }
0x4c: {  	s22 =	sadd.s32 s22, s23;
	s24 =	sadd.s32 $0xFFFFFFE2, s20;
	s21 =	simm.s32 @!p1 $0x3F80  }
0x4d: {  	s20 =	ssub.s32 $0x20, s20;
	p1 =	sgt.s32 s24, $0x1;
	s24 =	sand.u32 s30, s11  }
0x4e: {  	s23 =	sand.u32 $0x3C00, s23;
	s20 =	smul.u32 $0x32, s20;
	s21 =	ssub.s32 s21, s24  }
0x4f: {  	s19 =	sor.u32 s25, s19;
	s22 =	sand.u32 $0x7C000, s22;
	s24 =	sadd.s32 $0xFFFFC080, s21  }
0x50: {  	s20 =	simm.s32 @p1 $0x0;
	s21 =	ssub.s32 $0x4000, s21;
	p1 =	sgt.s32 s24, $0x7F  }
.Ltmp5:
0x51: {  	s19 =	sor.u32 s23, s19;
	s21 =	simm.s32 @p1 $0x0;
	(pc) =	sbr.rel .LBB1_7-.Ltmp5, $4  }
0x52: {  	s31 =	sand.u32 $0x7, s11;
	s19 =	sor.u32 s22, s19;
	s20 =	smul.u32 s21, s20  }
0x53: {  	s19 =	sshrl.u32 s19, $0x3;
	s21 =	sshll.u32 s31, $0x12  }
0x54: {  	s19 =	sadd.s32 s2, s19;
	s21 =	sor.u32 $0x100, s21;
	s20 =	sand.u32 $0x3FFFFFFE, s20  }
0x55: {  	[hbm4b:s19+s21] =	stream.strided.scatter [tilespmem:s18], [sflag:$0x2], s20, s10, s21, $0x20;
	[tilespmem:$0x10100] =	vst v63  }
.LBB1_8:
0x56: {  	_ =	sfence.sel $0x180000  }
0x57: {  	s2 =	simm.s32 $0x1;
	[bflag:$0x0] =	sbarrier.arrive $0xFFFF  }
0x58: {  	s31 =	simm.s32 $0x2;
	[sflag:s2] =	ssyncpa.u1 $0x1  }
0x59: {  	[sflag:s31] =	ssyncpa.u1 $0x1  }
0x5a: {  	p0 =	sne.s32 s1, $0x0;
	_ =	strace $0x9000004D  }
0x5b: {  	s0 =	sadd.s32 @!p0 $0x100000, s0;
	[bflag:$0x2] =	sbarrier.arrive $0xFFFF  }
0x5c: {  	[sflag:s0] =	ssyncadd.tile.s32 @!p0 $0x1;
	_ =	shalt  }
.Lfunc_end1:
_tile_overlayer_lowered:
.L_overlay_start_2:
0x5d: {  	(tag) =	ssettag $0x2  }
0x5e: {  	s0 =	rddreg [dreg:$0x0];
	s2 =	stileid.u32  }
0x5f: {  	s1 =	rddreg [dreg:$0x1];
	p0 =	sne.s32 s2, $0x0  }
0x60: {  	s3 =	rddreg [dreg:$0x2];
	[bflag:$0x3] =	sbarrier.arrive $0xFFFF;
	s2 =	simm.s32 @!p0 $0x1C01  }
0x61: {  	[timem:s3], [sflag:s2] =	dma.local @!p0 [hbm:s0], s1  }
0x62: {  	s0 =	simm.s32 @!p0 $0x1  }
0x63: {  	_ =	swait.ge @!p0 [sflag:s0], s1  }
0x64: {  	s1 =	ssub.s32 @!p0 $0x0, s1;
	[sflag:s0] =	ssyncset.done @!p0 $0x0  }
0x65: {  	[sflag:s0] =	ssyncadd.s32 @!p0 s1  }
0x66: {  	[bflag:$0x3] =	sbarrier.arrive $0xFFFF  }
0x67: {  	_ =	shalt  }

</sc_bundles>
